<compile_context>
chip_gen: v7x
topology: tpu7x:2x2x1
jax: 0.10.2.dev20260603
libtpu: 0.0.44.dev20260713+nightly
codegen_flags: <defaults>
</compile_context>

<pallas_src>
import functools

import jax
import jax.numpy as jnp
from jax import lax
from jax.experimental import pallas as pl
from jax.experimental.pallas import tpu as pltpu
from jax.experimental.pallas import tpu_sc as plsc

B = 2048
K = 128
D = 510
DP = 512
P = 332

BLK = 256

NC = 2
NS = 16
NW = NC * NS
BPW = B // NW


def _first_argmin(scores, k):
    iota = lax.broadcasted_iota(jnp.int32, scores.shape, 1)
    m = jnp.min(scores, axis=1, keepdims=True)
    return jnp.min(jnp.where(scores == m, iota, k), axis=1, keepdims=True)


def _idx_kern(z_ref, zp_ref, qt_ref, i1_ref, i2_ref):
    qt = qt_ref[...]
    qn = jnp.sum(qt * qt, axis=0)[None, :]
    s1 = qn - 2.0 * lax.dot_general(
        z_ref[...], qt, (((1,), (0,)), ((), ())),
        preferred_element_type=jnp.float32, precision=lax.Precision.HIGHEST)
    s2 = qn - 2.0 * lax.dot_general(
        zp_ref[...], qt, (((1,), (0,)), ((), ())),
        preferred_element_type=jnp.float32, precision=lax.Precision.HIGHEST)
    i1_ref[...] = _first_argmin(s1, K)
    i2_ref[...] = _first_argmin(s2, K)


def _tc_indices(z, z_pre, qt):
    grid = B // BLK
    return pl.pallas_call(
        _idx_kern,
        grid=(grid,),
        in_specs=[
            pl.BlockSpec((BLK, D), lambda i: (i, 0)),
            pl.BlockSpec((BLK, D), lambda i: (i, 0)),
            pl.BlockSpec((D, K), lambda i: (0, 0)),
        ],
        out_specs=[
            pl.BlockSpec((BLK, 1), lambda i: (i, 0)),
            pl.BlockSpec((BLK, 1), lambda i: (i, 0)),
        ],
        out_shape=[
            jax.ShapeDtypeStruct((B, 1), jnp.int32),
            jax.ShapeDtypeStruct((B, 1), jnp.int32),
        ],
    )(z, z_pre, qt)


@functools.partial(
    pl.kernel,
    mesh=plsc.VectorSubcoreMesh(core_axis_name="c", subcore_axis_name="s"),
    out_type=jax.ShapeDtypeStruct((B, DP), jnp.float32),
    scratch_types=[
        pltpu.VMEM((BPW,), jnp.int32),
        pltpu.VMEM((BPW,), jnp.int32),
        pltpu.VMEM((BPW,), jnp.int32),
        pltpu.VMEM((BPW, DP), jnp.float32),
        pltpu.VMEM((BPW, DP), jnp.float32),
        pltpu.VMEM((BPW, DP), jnp.float32),
        pltpu.SemaphoreType.DMA,
    ],
)
def _sc_gather_sum(q_hbm, pn_hbm, i1_hbm, i2_hbm, pos_hbm, out_hbm,
                   i1_v, i2_v, pos_v, r1, r2, r3, sem):
    wid = lax.axis_index("s") * NC + lax.axis_index("c")
    base = wid * BPW
    pltpu.sync_copy(i1_hbm.at[pl.ds(base, BPW)], i1_v)
    pltpu.sync_copy(i2_hbm.at[pl.ds(base, BPW)], i2_v)
    pltpu.sync_copy(pos_hbm.at[pl.ds(base, BPW)], pos_v)
    c1 = pltpu.async_copy(q_hbm.at[i1_v], r1, sem)
    c2 = pltpu.async_copy(q_hbm.at[i2_v], r2, sem)
    c3 = pltpu.async_copy(pn_hbm.at[pos_v], r3, sem)
    c1.wait()
    c2.wait()
    c3.wait()

    def row_body(b, carry):
        for j in range(DP // 16):
            sl = pl.ds(j * 16, 16)
            r1[b, sl] = r1[b, sl] + r2[b, sl] + r3[b, sl]
        return carry

    lax.fori_loop(0, BPW, row_body, 0)
    pltpu.sync_copy(r1, out_hbm.at[pl.ds(base, BPW)])


@jax.jit
def kernel(z, z_pre, position_number, quantisation, phrase_number):
    qt = quantisation.T
    q_pad = jnp.pad(quantisation, ((0, 0), (0, DP - D)))
    pn_pad = jnp.pad(phrase_number, ((0, 0), (0, DP - D)))
    pos = position_number.astype(jnp.int32)
    i1, i2 = _tc_indices(z, z_pre, qt)
    out_pad = _sc_gather_sum(q_pad, pn_pad, i1.reshape(B), i2.reshape(B), pos)
    return out_pad[:, :D]

# --- scband reference (transcript-rebuilt; emitter-appended) ---
"""Pipeline reference for scband-phrase-model-75307956568710 (READ-ONLY COPY).

The authoritative reference and input builder live on the scoring server;
editing this copy changes nothing except your own understanding.
"""

import jax, jax.numpy as jnp
import numpy as np

B = 2048
K = 128
D = 510
P = 332


def setup_inputs(seed: int = 0) -> dict:
    key = jax.random.key(seed)
    k1, k2, k3, k4, k5 = jax.random.split(key, 5)
    z = jax.random.normal(k1, (B, D), dtype=jnp.float32)
    z_pre = jax.random.normal(k2, (B, D), dtype=jnp.float32)
    position_number = jax.random.randint(k3, (B,), 0, P, dtype=jnp.int64 if jax.config.jax_enable_x64 else jnp.int32)
    quantisation = jax.random.normal(k4, (K, D), dtype=jnp.float32) * 0.05
    phrase_number = jax.random.normal(k5, (P, D), dtype=jnp.float32) * 0.05
    return {
        'z': z,
        'z_pre': z_pre,
        'position_number': position_number,
        'quantisation': quantisation,
        'phrase_number': phrase_number,
    }


def _vq(z, table):
    # z: [B, D]; table: [K, D]
    zx = jnp.expand_dims(z, -2)                      # [B, 1, D]
    dist = jnp.linalg.norm(zx - table[None, :, :], axis=-1)  # [B, K]
    k = jnp.argmin(dist, axis=-1)                    # [B]
    return jnp.take(table, k, axis=0)                # [B, D] codebook lookup


def reference(z, z_pre, position_number, quantisation, phrase_number):
    # Faithful translation of PhraseModel.vq + the embedding-sum feeding the decoder.
    z_q = _vq(z, quantisation)
    z_pre_q = _vq(z_pre, quantisation)
    pos_emb = jnp.take(phrase_number, position_number, axis=0)  # Embedding(332, 510) lookup, reshape to [B, 510]
    combined = z_q + z_pre_q + pos_emb
    return combined

if __name__ == "__main__":
    import jax
    _d = setup_inputs()
    print(jax.jit(kernel)(*tuple(_d.values())))

</pallas_src>

<mosaic_0001>
#map = affine_map<(d0, d1) -> (0, 0)>
#map1 = affine_map<(d0, d1) -> (0)>
module attributes {stable_mosaic.version = 14 : i64} {
  func.func @_sc_gather_sum(%arg0: i32, %arg1: i32, %arg2: memref<128x512xf32, #tpu.memory_space<hbm>>, %arg3: memref<332x512xf32, #tpu.memory_space<hbm>>, %arg4: memref<2048xi32, #tpu.memory_space<hbm>>, %arg5: memref<2048xi32, #tpu.memory_space<hbm>>, %arg6: memref<2048xi32, #tpu.memory_space<hbm>>, %arg7: memref<2048x512xf32, #tpu.memory_space<hbm>>, %arg8: memref<64xi32, #tpu.memory_space<vmem>>, %arg9: memref<64xi32, #tpu.memory_space<vmem>>, %arg10: memref<64xi32, #tpu.memory_space<vmem>>, %arg11: memref<64x512xf32, #tpu.memory_space<vmem>>, %arg12: memref<64x512xf32, #tpu.memory_space<vmem>>, %arg13: memref<64x512xf32, #tpu.memory_space<vmem>>, %arg14: memref<!tpu.dma_semaphore, #tpu.memory_space<semaphore_mem>>) attributes {dimension_semantics = [#tpu.dimension_semantics<core_parallel>, #tpu.dimension_semantics<subcore_parallel>], iteration_bounds = array<i64: 2, 16>, scalar_prefetch = 0 : i64, scratch_operands = 7 : i64, tpu.core_type = #tpu.core_type<sc_vector_subcore>, window_params = [{transform_indices = #map}, {transform_indices = #map}, {transform_indices = #map1}, {transform_indices = #map1}, {transform_indices = #map1}, {transform_indices = #map}]} {
    %mul3A = arith.constant 2 : i32
    %mul3A_0 = arith.muli %arg1, %mul3A : i32
    %add3A = arith.addi %mul3A_0, %arg0 : i32
    %mul3A_1 = arith.constant 64 : i32
    %mul3A_2 = arith.muli %add3A, %mul3A_1 : i32
    "tpu.region"() ({
      %run_scoped3A = tpu.sem_alloc : memref<!tpu.dma_semaphore, #tpu.memory_space<semaphore_mem>>
      %dma_start3A_24 = tpu.memref_slice %arg4[%mul3A_2] : memref<2048xi32, #tpu.memory_space<hbm>> -> memref<64xi32, #tpu.memory_space<hbm>>
      %dma_start3A_25 = tpu.memref_slice %arg4[%mul3A_2] : memref<2048xi32, #tpu.memory_space<hbm>> -> memref<64xi32, #tpu.memory_space<hbm>>
      tpu.enqueue_dma source(%dma_start3A_25 : memref<64xi32, #tpu.memory_space<hbm>>) target(%arg8 : memref<64xi32, #tpu.memory_space<vmem>>) target_semaphore(%run_scoped3A : memref<!tpu.dma_semaphore, #tpu.memory_space<semaphore_mem>>)
      %dma_wait3A_26 = tpu.memref_slice %arg4[%mul3A_2] : memref<2048xi32, #tpu.memory_space<hbm>> -> memref<64xi32, #tpu.memory_space<hbm>>
      %dma_wait3A_27 = tpu.memref_slice %arg4[%mul3A_2] : memref<2048xi32, #tpu.memory_space<hbm>> -> memref<64xi32, #tpu.memory_space<hbm>>
      tpu.wait_dma2 semaphore(%run_scoped3A : memref<!tpu.dma_semaphore, #tpu.memory_space<semaphore_mem>>) src(%dma_wait3A_27 : memref<64xi32, #tpu.memory_space<hbm>>) dst(%arg8 : memref<64xi32, #tpu.memory_space<vmem>>)
      tpu.yield
    }) : () -> ()
    "tpu.region"() ({
      %run_scoped3A = tpu.sem_alloc : memref<!tpu.dma_semaphore, #tpu.memory_space<semaphore_mem>>
      %dma_start3A_24 = tpu.memref_slice %arg5[%mul3A_2] : memref<2048xi32, #tpu.memory_space<hbm>> -> memref<64xi32, #tpu.memory_space<hbm>>
      %dma_start3A_25 = tpu.memref_slice %arg5[%mul3A_2] : memref<2048xi32, #tpu.memory_space<hbm>> -> memref<64xi32, #tpu.memory_space<hbm>>
      tpu.enqueue_dma source(%dma_start3A_25 : memref<64xi32, #tpu.memory_space<hbm>>) target(%arg9 : memref<64xi32, #tpu.memory_space<vmem>>) target_semaphore(%run_scoped3A : memref<!tpu.dma_semaphore, #tpu.memory_space<semaphore_mem>>)
      %dma_wait3A_26 = tpu.memref_slice %arg5[%mul3A_2] : memref<2048xi32, #tpu.memory_space<hbm>> -> memref<64xi32, #tpu.memory_space<hbm>>
      %dma_wait3A_27 = tpu.memref_slice %arg5[%mul3A_2] : memref<2048xi32, #tpu.memory_space<hbm>> -> memref<64xi32, #tpu.memory_space<hbm>>
      tpu.wait_dma2 semaphore(%run_scoped3A : memref<!tpu.dma_semaphore, #tpu.memory_space<semaphore_mem>>) src(%dma_wait3A_27 : memref<64xi32, #tpu.memory_space<hbm>>) dst(%arg9 : memref<64xi32, #tpu.memory_space<vmem>>)
      tpu.yield
    }) : () -> ()
    "tpu.region"() ({
      %run_scoped3A = tpu.sem_alloc : memref<!tpu.dma_semaphore, #tpu.memory_space<semaphore_mem>>
      %dma_start3A_24 = tpu.memref_slice %arg6[%mul3A_2] : memref<2048xi32, #tpu.memory_space<hbm>> -> memref<64xi32, #tpu.memory_space<hbm>>
      %dma_start3A_25 = tpu.memref_slice %arg6[%mul3A_2] : memref<2048xi32, #tpu.memory_space<hbm>> -> memref<64xi32, #tpu.memory_space<hbm>>
      tpu.enqueue_dma source(%dma_start3A_25 : memref<64xi32, #tpu.memory_space<hbm>>) target(%arg10 : memref<64xi32, #tpu.memory_space<vmem>>) target_semaphore(%run_scoped3A : memref<!tpu.dma_semaphore, #tpu.memory_space<semaphore_mem>>)
      %dma_wait3A_26 = tpu.memref_slice %arg6[%mul3A_2] : memref<2048xi32, #tpu.memory_space<hbm>> -> memref<64xi32, #tpu.memory_space<hbm>>
      %dma_wait3A_27 = tpu.memref_slice %arg6[%mul3A_2] : memref<2048xi32, #tpu.memory_space<hbm>> -> memref<64xi32, #tpu.memory_space<hbm>>
      tpu.wait_dma2 semaphore(%run_scoped3A : memref<!tpu.dma_semaphore, #tpu.memory_space<semaphore_mem>>) src(%dma_wait3A_27 : memref<64xi32, #tpu.memory_space<hbm>>) dst(%arg10 : memref<64xi32, #tpu.memory_space<vmem>>)
      tpu.yield
    }) : () -> ()
    %dma_start3A = arith.constant 0 : i32
    %dma_start3A_3 = arith.constant 0 : i32
    %dma_start3A_4 = tpu.memref_slice %arg2[%dma_start3A, %dma_start3A_3] : memref<128x512xf32, #tpu.memory_space<hbm>> -> memref<128x512xf32, #tpu.memory_space<hbm>>
    tpu.enqueue_indirect_dma source(%dma_start3A_4 : memref<128x512xf32, #tpu.memory_space<hbm>>) target(%arg11 : memref<64x512xf32, #tpu.memory_space<vmem>>) offsets(%arg8 : memref<64xi32, #tpu.memory_space<vmem>>) semaphore(%arg14 : memref<!tpu.dma_semaphore, #tpu.memory_space<semaphore_mem>>)
    %dma_start3A_5 = arith.constant 0 : i32
    %dma_start3A_6 = arith.constant 0 : i32
    %dma_start3A_7 = tpu.memref_slice %arg2[%dma_start3A_5, %dma_start3A_6] : memref<128x512xf32, #tpu.memory_space<hbm>> -> memref<128x512xf32, #tpu.memory_space<hbm>>
    tpu.enqueue_indirect_dma source(%dma_start3A_7 : memref<128x512xf32, #tpu.memory_space<hbm>>) target(%arg12 : memref<64x512xf32, #tpu.memory_space<vmem>>) offsets(%arg9 : memref<64xi32, #tpu.memory_space<vmem>>) semaphore(%arg14 : memref<!tpu.dma_semaphore, #tpu.memory_space<semaphore_mem>>)
    %dma_start3A_8 = arith.constant 0 : i32
    %dma_start3A_9 = arith.constant 0 : i32
    %dma_start3A_10 = tpu.memref_slice %arg3[%dma_start3A_8, %dma_start3A_9] : memref<332x512xf32, #tpu.memory_space<hbm>> -> memref<332x512xf32, #tpu.memory_space<hbm>>
    tpu.enqueue_indirect_dma source(%dma_start3A_10 : memref<332x512xf32, #tpu.memory_space<hbm>>) target(%arg13 : memref<64x512xf32, #tpu.memory_space<vmem>>) offsets(%arg10 : memref<64xi32, #tpu.memory_space<vmem>>) semaphore(%arg14 : memref<!tpu.dma_semaphore, #tpu.memory_space<semaphore_mem>>)
    %dma_wait3A = arith.constant 0 : i32
    %dma_wait3A_11 = arith.constant 0 : i32
    %dma_wait3A_12 = tpu.memref_slice %arg2[%dma_wait3A, %dma_wait3A_11] : memref<128x512xf32, #tpu.memory_space<hbm>> -> memref<128x512xf32, #tpu.memory_space<hbm>>
    tpu.wait_indirect_dma semaphore(%arg14 : memref<!tpu.dma_semaphore, #tpu.memory_space<semaphore_mem>>) src(%dma_wait3A_12 : memref<128x512xf32, #tpu.memory_space<hbm>>) dst(%arg11 : memref<64x512xf32, #tpu.memory_space<vmem>>)
    %dma_wait3A_13 = arith.constant 0 : i32
    %dma_wait3A_14 = arith.constant 0 : i32
    %dma_wait3A_15 = tpu.memref_slice %arg2[%dma_wait3A_13, %dma_wait3A_14] : memref<128x512xf32, #tpu.memory_space<hbm>> -> memref<128x512xf32, #tpu.memory_space<hbm>>
    tpu.wait_indirect_dma semaphore(%arg14 : memref<!tpu.dma_semaphore, #tpu.memory_space<semaphore_mem>>) src(%dma_wait3A_15 : memref<128x512xf32, #tpu.memory_space<hbm>>) dst(%arg12 : memref<64x512xf32, #tpu.memory_space<vmem>>)
    %dma_wait3A_16 = arith.constant 0 : i32
    %dma_wait3A_17 = arith.constant 0 : i32
    %dma_wait3A_18 = tpu.memref_slice %arg3[%dma_wait3A_16, %dma_wait3A_17] : memref<332x512xf32, #tpu.memory_space<hbm>> -> memref<332x512xf32, #tpu.memory_space<hbm>>
    tpu.wait_indirect_dma semaphore(%arg14 : memref<!tpu.dma_semaphore, #tpu.memory_space<semaphore_mem>>) src(%dma_wait3A_18 : memref<332x512xf32, #tpu.memory_space<hbm>>) dst(%arg13 : memref<64x512xf32, #tpu.memory_space<vmem>>)
    %scan3A = arith.constant 0 : i32
    %scan3A_19 = arith.constant 0 : i32
    %scan3A_20 = arith.constant 64 : i32
    %scan3A_21 = arith.addi %scan3A_19, %scan3A_20 : i32
    %scan3A_22 = arith.constant 1 : i32
    scf.for %scan3A_24 = %scan3A_19 to %scan3A_21 step %scan3A_22  : i32 {
      %get3A = arith.index_cast %scan3A_24 : i32 to index
      %get3A_25 = arith.constant 0 : index
      %get3A_26 = tpu.vector_load %arg11[%get3A, %get3A_25] {strides = array<i32>} : memref<64x512xf32, #tpu.memory_space<vmem>>, vector<1x16xf32>,
      %get3A_27 = vector.shape_cast %get3A_26 : vector<1x16xf32> to vector<16xf32>
      %get3A_28 = arith.index_cast %scan3A_24 : i32 to index
      %get3A_29 = arith.constant 0 : index
      %get3A_30 = tpu.vector_load %arg12[%get3A_28, %get3A_29] {strides = array<i32>} : memref<64x512xf32, #tpu.memory_space<vmem>>, vector<1x16xf32>,
      %get3A_31 = vector.shape_cast %get3A_30 : vector<1x16xf32> to vector<16xf32>
      %add3A_32 = arith.addf %get3A_27, %get3A_31 : vector<16xf32>
      %get3A_33 = arith.index_cast %scan3A_24 : i32 to index
      %get3A_34 = arith.constant 0 : index
      %get3A_35 = tpu.vector_load %arg13[%get3A_33, %get3A_34] {strides = array<i32>} : memref<64x512xf32, #tpu.memory_space<vmem>>, vector<1x16xf32>,
      %get3A_36 = vector.shape_cast %get3A_35 : vector<1x16xf32> to vector<16xf32>
      %add3A_37 = arith.addf %add3A_32, %get3A_36 : vector<16xf32>
      %swap3A = arith.index_cast %scan3A_24 : i32 to index
      %swap3A_38 = arith.constant 0 : index
      %swap3A_39 = tpu.vector_load %arg11[%swap3A, %swap3A_38] {strides = array<i32>} : memref<64x512xf32, #tpu.memory_space<vmem>>, vector<1x16xf32>,
      %swap3A_40 = vector.shape_cast %swap3A_39 : vector<1x16xf32> to vector<16xf32>
      %swap3A_41 = vector.shape_cast %add3A_37 : vector<16xf32> to vector<1x16xf32>
      tpu.vector_store %arg11[%swap3A, %swap3A_38], %swap3A_41 {strides = array<i32>} : memref<64x512xf32, #tpu.memory_space<vmem>>, vector<1x16xf32>,
      %get3A_42 = arith.index_cast %scan3A_24 : i32 to index
      %get3A_43 = arith.constant 16 : index
      %get3A_44 = tpu.vector_load %arg11[%get3A_42, %get3A_43] {strides = array<i32>} : memref<64x512xf32, #tpu.memory_space<vmem>>, vector<1x16xf32>,
      %get3A_45 = vector.shape_cast %get3A_44 : vector<1x16xf32> to vector<16xf32>
      %get3A_46 = arith.index_cast %scan3A_24 : i32 to index
      %get3A_47 = arith.constant 16 : index
      %get3A_48 = tpu.vector_load %arg12[%get3A_46, %get3A_47] {strides = array<i32>} : memref<64x512xf32, #tpu.memory_space<vmem>>, vector<1x16xf32>,
      %get3A_49 = vector.shape_cast %get3A_48 : vector<1x16xf32> to vector<16xf32>
      %add3A_50 = arith.addf %get3A_45, %get3A_49 : vector<16xf32>
      %get3A_51 = arith.index_cast %scan3A_24 : i32 to index
      %get3A_52 = arith.constant 16 : index
      %get3A_53 = tpu.vector_load %arg13[%get3A_51, %get3A_52] {strides = array<i32>} : memref<64x512xf32, #tpu.memory_space<vmem>>, vector<1x16xf32>,
      %get3A_54 = vector.shape_cast %get3A_53 : vector<1x16xf32> to vector<16xf32>
      %add3A_55 = arith.addf %add3A_50, %get3A_54 : vector<16xf32>
      %swap3A_56 = arith.index_cast %scan3A_24 : i32 to index
      %swap3A_57 = arith.constant 16 : index
      %swap3A_58 = tpu.vector_load %arg11[%swap3A_56, %swap3A_57] {strides = array<i32>} : memref<64x512xf32, #tpu.memory_space<vmem>>, vector<1x16xf32>,
      %swap3A_59 = vector.shape_cast %swap3A_58 : vector<1x16xf32> to vector<16xf32>
      %swap3A_60 = vector.shape_cast %add3A_55 : vector<16xf32> to vector<1x16xf32>
      tpu.vector_store %arg11[%swap3A_56, %swap3A_57], %swap3A_60 {strides = array<i32>} : memref<64x512xf32, #tpu.memory_space<vmem>>, vector<1x16xf32>,
      %get3A_61 = arith.index_cast %scan3A_24 : i32 to index
      %get3A_62 = arith.constant 32 : index
      %get3A_63 = tpu.vector_load %arg11[%get3A_61, %get3A_62] {strides = array<i32>} : memref<64x512xf32, #tpu.memory_space<vmem>>, vector<1x16xf32>,
      %get3A_64 = vector.shape_cast %get3A_63 : vector<1x16xf32> to vector<16xf32>
      %get3A_65 = arith.index_cast %scan3A_24 : i32 to index
      %get3A_66 = arith.constant 32 : index
      %get3A_67 = tpu.vector_load %arg12[%get3A_65, %get3A_66] {strides = array<i32>} : memref<64x512xf32, #tpu.memory_space<vmem>>, vector<1x16xf32>,
      %get3A_68 = vector.shape_cast %get3A_67 : vector<1x16xf32> to vector<16xf32>
      %add3A_69 = arith.addf %get3A_64, %get3A_68 : vector<16xf32>
      %get3A_70 = arith.index_cast %scan3A_24 : i32 to index
      %get3A_71 = arith.constant 32 : index
      %get3A_72 = tpu.vector_load %arg13[%get3A_70, %get3A_71] {strides = array<i32>} : memref<64x512xf32, #tpu.memory_space<vmem>>, vector<1x16xf32>,
      %get3A_73 = vector.shape_cast %get3A_72 : vector<1x16xf32> to vector<16xf32>
      %add3A_74 = arith.addf %add3A_69, %get3A_73 : vector<16xf32>
      %swap3A_75 = arith.index_cast %scan3A_24 : i32 to index
      %swap3A_76 = arith.constant 32 : index
      %swap3A_77 = tpu.vector_load %arg11[%swap3A_75, %swap3A_76] {strides = array<i32>} : memref<64x512xf32, #tpu.memory_space<vmem>>, vector<1x16xf32>,
      %swap3A_78 = vector.shape_cast %swap3A_77 : vector<1x16xf32> to vector<16xf32>
      %swap3A_79 = vector.shape_cast %add3A_74 : vector<16xf32> to vector<1x16xf32>
      tpu.vector_store %arg11[%swap3A_75, %swap3A_76], %swap3A_79 {strides = array<i32>} : memref<64x512xf32, #tpu.memory_space<vmem>>, vector<1x16xf32>,
      %get3A_80 = arith.index_cast %scan3A_24 : i32 to index
      %get3A_81 = arith.constant 48 : index
      %get3A_82 = tpu.vector_load %arg11[%get3A_80, %get3A_81] {strides = array<i32>} : memref<64x512xf32, #tpu.memory_space<vmem>>, vector<1x16xf32>,
      %get3A_83 = vector.shape_cast %get3A_82 : vector<1x16xf32> to vector<16xf32>
      %get3A_84 = arith.index_cast %scan3A_24 : i32 to index
      %get3A_85 = arith.constant 48 : index
      %get3A_86 = tpu.vector_load %arg12[%get3A_84, %get3A_85] {strides = array<i32>} : memref<64x512xf32, #tpu.memory_space<vmem>>, vector<1x16xf32>,
      %get3A_87 = vector.shape_cast %get3A_86 : vector<1x16xf32> to vector<16xf32>
      %add3A_88 = arith.addf %get3A_83, %get3A_87 : vector<16xf32>
      %get3A_89 = arith.index_cast %scan3A_24 : i32 to index
      %get3A_90 = arith.constant 48 : index
      %get3A_91 = tpu.vector_load %arg13[%get3A_89, %get3A_90] {strides = array<i32>} : memref<64x512xf32, #tpu.memory_space<vmem>>, vector<1x16xf32>,
      %get3A_92 = vector.shape_cast %get3A_91 : vector<1x16xf32> to vector<16xf32>
      %add3A_93 = arith.addf %add3A_88, %get3A_92 : vector<16xf32>
      %swap3A_94 = arith.index_cast %scan3A_24 : i32 to index
      %swap3A_95 = arith.constant 48 : index
      %swap3A_96 = tpu.vector_load %arg11[%swap3A_94, %swap3A_95] {strides = array<i32>} : memref<64x512xf32, #tpu.memory_space<vmem>>, vector<1x16xf32>,
      %swap3A_97 = vector.shape_cast %swap3A_96 : vector<1x16xf32> to vector<16xf32>
      %swap3A_98 = vector.shape_cast %add3A_93 : vector<16xf32> to vector<1x16xf32>
      tpu.vector_store %arg11[%swap3A_94, %swap3A_95], %swap3A_98 {strides = array<i32>} : memref<64x512xf32, #tpu.memory_space<vmem>>, vector<1x16xf32>,
      %get3A_99 = arith.index_cast %scan3A_24 : i32 to index
      %get3A_100 = arith.constant 64 : index
      %get3A_101 = tpu.vector_load %arg11[%get3A_99, %get3A_100] {strides = array<i32>} : memref<64x512xf32, #tpu.memory_space<vmem>>, vector<1x16xf32>,
      %get3A_102 = vector.shape_cast %get3A_101 : vector<1x16xf32> to vector<16xf32>
      %get3A_103 = arith.index_cast %scan3A_24 : i32 to index
      %get3A_104 = arith.constant 64 : index
      %get3A_105 = tpu.vector_load %arg12[%get3A_103, %get3A_104] {strides = array<i32>} : memref<64x512xf32, #tpu.memory_space<vmem>>, vector<1x16xf32>,
      %get3A_106 = vector.shape_cast %get3A_105 : vector<1x16xf32> to vector<16xf32>
      %add3A_107 = arith.addf %get3A_102, %get3A_106 : vector<16xf32>
      %get3A_108 = arith.index_cast %scan3A_24 : i32 to index
      %get3A_109 = arith.constant 64 : index
      %get3A_110 = tpu.vector_load %arg13[%get3A_108, %get3A_109] {strides = array<i32>} : memref<64x512xf32, #tpu.memory_space<vmem>>, vector<1x16xf32>,
      %get3A_111 = vector.shape_cast %get3A_110 : vector<1x16xf32> to vector<16xf32>
      %add3A_112 = arith.addf %add3A_107, %get3A_111 : vector<16xf32>
      %swap3A_113 = arith.index_cast %scan3A_24 : i32 to index
      %swap3A_114 = arith.constant 64 : index
      %swap3A_115 = tpu.vector_load %arg11[%swap3A_113, %swap3A_114] {strides = array<i32>} : memref<64x512xf32, #tpu.memory_space<vmem>>, vector<1x16xf32>,
      %swap3A_116 = vector.shape_cast %swap3A_115 : vector<1x16xf32> to vector<16xf32>
      %swap3A_117 = vector.shape_cast %add3A_112 : vector<16xf32> to vector<1x16xf32>
      tpu.vector_store %arg11[%swap3A_113, %swap3A_114], %swap3A_117 {strides = array<i32>} : memref<64x512xf32, #tpu.memory_space<vmem>>, vector<1x16xf32>,
      %get3A_118 = arith.index_cast %scan3A_24 : i32 to index
      %get3A_119 = arith.constant 80 : index
      %get3A_120 = tpu.vector_load %arg11[%get3A_118, %get3A_119] {strides = array<i32>} : memref<64x512xf32, #tpu.memory_space<vmem>>, vector<1x16xf32>,
      %get3A_121 = vector.shape_cast %get3A_120 : vector<1x16xf32> to vector<16xf32>
      %get3A_122 = arith.index_cast %scan3A_24 : i32 to index
      %get3A_123 = arith.constant 80 : index
      %get3A_124 = tpu.vector_load %arg12[%get3A_122, %get3A_123] {strides = array<i32>} : memref<64x512xf32, #tpu.memory_space<vmem>>, vector<1x16xf32>,
      %get3A_125 = vector.shape_cast %get3A_124 : vector<1x16xf32> to vector<16xf32>
      %add3A_126 = arith.addf %get3A_121, %get3A_125 : vector<16xf32>
      %get3A_127 = arith.index_cast %scan3A_24 : i32 to index
      %get3A_128 = arith.constant 80 : index
      %get3A_129 = tpu.vector_load %arg13[%get3A_127, %get3A_128] {strides = array<i32>} : memref<64x512xf32, #tpu.memory_space<vmem>>, vector<1x16xf32>,
      %get3A_130 = vector.shape_cast %get3A_129 : vector<1x16xf32> to vector<16xf32>
      %add3A_131 = arith.addf %add3A_126, %get3A_130 : vector<16xf32>
      %swap3A_132 = arith.index_cast %scan3A_24 : i32 to index
      %swap3A_133 = arith.constant 80 : index
      %swap3A_134 = tpu.vector_load %arg11[%swap3A_132, %swap3A_133] {strides = array<i32>} : memref<64x512xf32, #tpu.memory_space<vmem>>, vector<1x16xf32>,
      %swap3A_135 = vector.shape_cast %swap3A_134 : vector<1x16xf32> to vector<16xf32>
      %swap3A_136 = vector.shape_cast %add3A_131 : vector<16xf32> to vector<1x16xf32>
      tpu.vector_store %arg11[%swap3A_132, %swap3A_133], %swap3A_136 {strides = array<i32>} : memref<64x512xf32, #tpu.memory_space<vmem>>, vector<1x16xf32>,
      %get3A_137 = arith.index_cast %scan3A_24 : i32 to index
      %get3A_138 = arith.constant 96 : index
      %get3A_139 = tpu.vector_load %arg11[%get3A_137, %get3A_138] {strides = array<i32>} : memref<64x512xf32, #tpu.memory_space<vmem>>, vector<1x16xf32>,
      %get3A_140 = vector.shape_cast %get3A_139 : vector<1x16xf32> to vector<16xf32>
      %get3A_141 = arith.index_cast %scan3A_24 : i32 to index
      %get3A_142 = arith.constant 96 : index
      %get3A_143 = tpu.vector_load %arg12[%get3A_141, %get3A_142] {strides = array<i32>} : memref<64x512xf32, #tpu.memory_space<vmem>>, vector<1x16xf32>,
      %get3A_144 = vector.shape_cast %get3A_143 : vector<1x16xf32> to vector<16xf32>
      %add3A_145 = arith.addf %get3A_140, %get3A_144 : vector<16xf32>
      %get3A_146 = arith.index_cast %scan3A_24 : i32 to index
      %get3A_147 = arith.constant 96 : index
      %get3A_148 = tpu.vector_load %arg13[%get3A_146, %get3A_147] {strides = array<i32>} : memref<64x512xf32, #tpu.memory_space<vmem>>, vector<1x16xf32>,
      %get3A_149 = vector.shape_cast %get3A_148 : vector<1x16xf32> to vector<16xf32>
      %add3A_150 = arith.addf %add3A_145, %get3A_149 : vector<16xf32>
      %swap3A_151 = arith.index_cast %scan3A_24 : i32 to index
      %swap3A_152 = arith.constant 96 : index
      %swap3A_153 = tpu.vector_load %arg11[%swap3A_151, %swap3A_152] {strides = array<i32>} : memref<64x512xf32, #tpu.memory_space<vmem>>, vector<1x16xf32>,
      %swap3A_154 = vector.shape_cast %swap3A_153 : vector<1x16xf32> to vector<16xf32>
      %swap3A_155 = vector.shape_cast %add3A_150 : vector<16xf32> to vector<1x16xf32>
      tpu.vector_store %arg11[%swap3A_151, %swap3A_152], %swap3A_155 {strides = array<i32>} : memref<64x512xf32, #tpu.memory_space<vmem>>, vector<1x16xf32>,
      %get3A_156 = arith.index_cast %scan3A_24 : i32 to index
      %get3A_157 = arith.constant 112 : index
      %get3A_158 = tpu.vector_load %arg11[%get3A_156, %get3A_157] {strides = array<i32>} : memref<64x512xf32, #tpu.memory_space<vmem>>, vector<1x16xf32>,
      %get3A_159 = vector.shape_cast %get3A_158 : vector<1x16xf32> to vector<16xf32>
      %get3A_160 = arith.index_cast %scan3A_24 : i32 to index
      %get3A_161 = arith.constant 112 : index
      %get3A_162 = tpu.vector_load %arg12[%get3A_160, %get3A_161] {strides = array<i32>} : memref<64x512xf32, #tpu.memory_space<vmem>>, vector<1x16xf32>,
      %get3A_163 = vector.shape_cast %get3A_162 : vector<1x16xf32> to vector<16xf32>
      %add3A_164 = arith.addf %get3A_159, %get3A_163 : vector<16xf32>
      %get3A_165 = arith.index_cast %scan3A_24 : i32 to index
      %get3A_166 = arith.constant 112 : index
      %get3A_167 = tpu.vector_load %arg13[%get3A_165, %get3A_166] {strides = array<i32>} : memref<64x512xf32, #tpu.memory_space<vmem>>, vector<1x16xf32>,
      %get3A_168 = vector.shape_cast %get3A_167 : vector<1x16xf32> to vector<16xf32>
      %add3A_169 = arith.addf %add3A_164, %get3A_168 : vector<16xf32>
      %swap3A_170 = arith.index_cast %scan3A_24 : i32 to index
      %swap3A_171 = arith.constant 112 : index
      %swap3A_172 = tpu.vector_load %arg11[%swap3A_170, %swap3A_171] {strides = array<i32>} : memref<64x512xf32, #tpu.memory_space<vmem>>, vector<1x16xf32>,
      %swap3A_173 = vector.shape_cast %swap3A_172 : vector<1x16xf32> to vector<16xf32>
      %swap3A_174 = vector.shape_cast %add3A_169 : vector<16xf32> to vector<1x16xf32>
      tpu.vector_store %arg11[%swap3A_170, %swap3A_171], %swap3A_174 {strides = array<i32>} : memref<64x512xf32, #tpu.memory_space<vmem>>, vector<1x16xf32>,
      %get3A_175 = arith.index_cast %scan3A_24 : i32 to index
      %get3A_176 = arith.constant 128 : index
      %get3A_177 = tpu.vector_load %arg11[%get3A_175, %get3A_176] {strides = array<i32>} : memref<64x512xf32, #tpu.memory_space<vmem>>, vector<1x16xf32>,
      %get3A_178 = vector.shape_cast %get3A_177 : vector<1x16xf32> to vector<16xf32>
      %get3A_179 = arith.index_cast %scan3A_24 : i32 to index
      %get3A_180 = arith.constant 128 : index
      %get3A_181 = tpu.vector_load %arg12[%get3A_179, %get3A_180] {strides = array<i32>} : memref<64x512xf32, #tpu.memory_space<vmem>>, vector<1x16xf32>,
      %get3A_182 = vector.shape_cast %get3A_181 : vector<1x16xf32> to vector<16xf32>
      %add3A_183 = arith.addf %get3A_178, %get3A_182 : vector<16xf32>
      %get3A_184 = arith.index_cast %scan3A_24 : i32 to index
      %get3A_185 = arith.constant 128 : index
      %get3A_186 = tpu.vector_load %arg13[%get3A_184, %get3A_185] {strides = array<i32>} : memref<64x512xf32, #tpu.memory_space<vmem>>, vector<1x16xf32>,
      %get3A_187 = vector.shape_cast %get3A_186 : vector<1x16xf32> to vector<16xf32>
      %add3A_188 = arith.addf %add3A_183, %get3A_187 : vector<16xf32>
      %swap3A_189 = arith.index_cast %scan3A_24 : i32 to index
      %swap3A_190 = arith.constant 128 : index
      %swap3A_191 = tpu.vector_load %arg11[%swap3A_189, %swap3A_190] {strides = array<i32>} : memref<64x512xf32, #tpu.memory_space<vmem>>, vector<1x16xf32>,
      %swap3A_192 = vector.shape_cast %swap3A_191 : vector<1x16xf32> to vector<16xf32>
      %swap3A_193 = vector.shape_cast %add3A_188 : vector<16xf32> to vector<1x16xf32>
      tpu.vector_store %arg11[%swap3A_189, %swap3A_190], %swap3A_193 {strides = array<i32>} : memref<64x512xf32, #tpu.memory_space<vmem>>, vector<1x16xf32>,
      %get3A_194 = arith.index_cast %scan3A_24 : i32 to index
      %get3A_195 = arith.constant 144 : index
      %get3A_196 = tpu.vector_load %arg11[%get3A_194, %get3A_195] {strides = array<i32>} : memref<64x512xf32, #tpu.memory_space<vmem>>, vector<1x16xf32>,
      %get3A_197 = vector.shape_cast %get3A_196 : vector<1x16xf32> to vector<16xf32>
      %get3A_198 = arith.index_cast %scan3A_24 : i32 to index
      %get3A_199 = arith.constant 144 : index
      %get3A_200 = tpu.vector_load %arg12[%get3A_198, %get3A_199] {strides = array<i32>} : memref<64x512xf32, #tpu.memory_space<vmem>>, vector<1x16xf32>,
      %get3A_201 = vector.shape_cast %get3A_200 : vector<1x16xf32> to vector<16xf32>
      %add3A_202 = arith.addf %get3A_197, %get3A_201 : vector<16xf32>
      %get3A_203 = arith.index_cast %scan3A_24 : i32 to index
      %get3A_204 = arith.constant 144 : index
      %get3A_205 = tpu.vector_load %arg13[%get3A_203, %get3A_204] {strides = array<i32>} : memref<64x512xf32, #tpu.memory_space<vmem>>, vector<1x16xf32>,
      %get3A_206 = vector.shape_cast %get3A_205 : vector<1x16xf32> to vector<16xf32>
      %add3A_207 = arith.addf %add3A_202, %get3A_206 : vector<16xf32>
      %swap3A_208 = arith.index_cast %scan3A_24 : i32 to index
      %swap3A_209 = arith.constant 144 : index
      %swap3A_210 = tpu.vector_load %arg11[%swap3A_208, %swap3A_209] {strides = array<i32>} : memref<64x512xf32, #tpu.memory_space<vmem>>, vector<1x16xf32>,
      %swap3A_211 = vector.shape_cast %swap3A_210 : vector<1x16xf32> to vector<16xf32>
      %swap3A_212 = vector.shape_cast %add3A_207 : vector<16xf32> to vector<1x16xf32>
      tpu.vector_store %arg11[%swap3A_208, %swap3A_209], %swap3A_212 {strides = array<i32>} : memref<64x512xf32, #tpu.memory_space<vmem>>, vector<1x16xf32>,
      %get3A_213 = arith.index_cast %scan3A_24 : i32 to index
      %get3A_214 = arith.constant 160 : index
      %get3A_215 = tpu.vector_load %arg11[%get3A_213, %get3A_214] {strides = array<i32>} : memref<64x512xf32, #tpu.memory_space<vmem>>, vector<1x16xf32>,
      %get3A_216 = vector.shape_cast %get3A_215 : vector<1x16xf32> to vector<16xf32>
      %get3A_217 = arith.index_cast %scan3A_24 : i32 to index
      %get3A_218 = arith.constant 160 : index
      %get3A_219 = tpu.vector_load %arg12[%get3A_217, %get3A_218] {strides = array<i32>} : memref<64x512xf32, #tpu.memory_space<vmem>>, vector<1x16xf32>,
      %get3A_220 = vector.shape_cast %get3A_219 : vector<1x16xf32> to vector<16xf32>
      %add3A_221 = arith.addf %get3A_216, %get3A_220 : vector<16xf32>
      %get3A_222 = arith.index_cast %scan3A_24 : i32 to index
      %get3A_223 = arith.constant 160 : index
      %get3A_224 = tpu.vector_load %arg13[%get3A_222, %get3A_223] {strides = array<i32>} : memref<64x512xf32, #tpu.memory_space<vmem>>, vector<1x16xf32>,
      %get3A_225 = vector.shape_cast %get3A_224 : vector<1x16xf32> to vector<16xf32>
      %add3A_226 = arith.addf %add3A_221, %get3A_225 : vector<16xf32>
      %swap3A_227 = arith.index_cast %scan3A_24 : i32 to index
      %swap3A_228 = arith.constant 160 : index
      %swap3A_229 = tpu.vector_load %arg11[%swap3A_227, %swap3A_228] {strides = array<i32>} : memref<64x512xf32, #tpu.memory_space<vmem>>, vector<1x16xf32>,
      %swap3A_230 = vector.shape_cast %swap3A_229 : vector<1x16xf32> to vector<16xf32>
      %swap3A_231 = vector.shape_cast %add3A_226 : vector<16xf32> to vector<1x16xf32>
      tpu.vector_store %arg11[%swap3A_227, %swap3A_228], %swap3A_231 {strides = array<i32>} : memref<64x512xf32, #tpu.memory_space<vmem>>, vector<1x16xf32>,
      %get3A_232 = arith.index_cast %scan3A_24 : i32 to index
      %get3A_233 = arith.constant 176 : index
      %get3A_234 = tpu.vector_load %arg11[%get3A_232, %get3A_233] {strides = array<i32>} : memref<64x512xf32, #tpu.memory_space<vmem>>, vector<1x16xf32>,
      %get3A_235 = vector.shape_cast %get3A_234 : vector<1x16xf32> to vector<16xf32>
      %get3A_236 = arith.index_cast %scan3A_24 : i32 to index
      %get3A_237 = arith.constant 176 : index
      %get3A_238 = tpu.vector_load %arg12[%get3A_236, %get3A_237] {strides = array<i32>} : memref<64x512xf32, #tpu.memory_space<vmem>>, vector<1x16xf32>,
      %get3A_239 = vector.shape_cast %get3A_238 : vector<1x16xf32> to vector<16xf32>
      %add3A_240 = arith.addf %get3A_235, %get3A_239 : vector<16xf32>
      %get3A_241 = arith.index_cast %scan3A_24 : i32 to index
      %get3A_242 = arith.constant 176 : index
      %get3A_243 = tpu.vector_load %arg13[%get3A_241, %get3A_242] {strides = array<i32>} : memref<64x512xf32, #tpu.memory_space<vmem>>, vector<1x16xf32>,
      %get3A_244 = vector.shape_cast %get3A_243 : vector<1x16xf32> to vector<16xf32>
      %add3A_245 = arith.addf %add3A_240, %get3A_244 : vector<16xf32>
      %swap3A_246 = arith.index_cast %scan3A_24 : i32 to index
      %swap3A_247 = arith.constant 176 : index
      %swap3A_248 = tpu.vector_load %arg11[%swap3A_246, %swap3A_247] {strides = array<i32>} : memref<64x512xf32, #tpu.memory_space<vmem>>, vector<1x16xf32>,
      %swap3A_249 = vector.shape_cast %swap3A_248 : vector<1x16xf32> to vector<16xf32>
      %swap3A_250 = vector.shape_cast %add3A_245 : vector<16xf32> to vector<1x16xf32>
      tpu.vector_store %arg11[%swap3A_246, %swap3A_247], %swap3A_250 {strides = array<i32>} : memref<64x512xf32, #tpu.memory_space<vmem>>, vector<1x16xf32>,
      %get3A_251 = arith.index_cast %scan3A_24 : i32 to index
      %get3A_252 = arith.constant 192 : index
      %get3A_253 = tpu.vector_load %arg11[%get3A_251, %get3A_252] {strides = array<i32>} : memref<64x512xf32, #tpu.memory_space<vmem>>, vector<1x16xf32>,
      %get3A_254 = vector.shape_cast %get3A_253 : vector<1x16xf32> to vector<16xf32>
      %get3A_255 = arith.index_cast %scan3A_24 : i32 to index
      %get3A_256 = arith.constant 192 : index
      %get3A_257 = tpu.vector_load %arg12[%get3A_255, %get3A_256] {strides = array<i32>} : memref<64x512xf32, #tpu.memory_space<vmem>>, vector<1x16xf32>,
      %get3A_258 = vector.shape_cast %get3A_257 : vector<1x16xf32> to vector<16xf32>
      %add3A_259 = arith.addf %get3A_254, %get3A_258 : vector<16xf32>
      %get3A_260 = arith.index_cast %scan3A_24 : i32 to index
      %get3A_261 = arith.constant 192 : index
      %get3A_262 = tpu.vector_load %arg13[%get3A_260, %get3A_261] {strides = array<i32>} : memref<64x512xf32, #tpu.memory_space<vmem>>, vector<1x16xf32>,
      %get3A_263 = vector.shape_cast %get3A_262 : vector<1x16xf32> to vector<16xf32>
      %add3A_264 = arith.addf %add3A_259, %get3A_263 : vector<16xf32>
      %swap3A_265 = arith.index_cast %scan3A_24 : i32 to index
      %swap3A_266 = arith.constant 192 : index
      %swap3A_267 = tpu.vector_load %arg11[%swap3A_265, %swap3A_266] {strides = array<i32>} : memref<64x512xf32, #tpu.memory_space<vmem>>, vector<1x16xf32>,
      %swap3A_268 = vector.shape_cast %swap3A_267 : vector<1x16xf32> to vector<16xf32>
      %swap3A_269 = vector.shape_cast %add3A_264 : vector<16xf32> to vector<1x16xf32>
      tpu.vector_store %arg11[%swap3A_265, %swap3A_266], %swap3A_269 {strides = array<i32>} : memref<64x512xf32, #tpu.memory_space<vmem>>, vector<1x16xf32>,
      %get3A_270 = arith.index_cast %scan3A_24 : i32 to index
      %get3A_271 = arith.constant 208 : index
      %get3A_272 = tpu.vector_load %arg11[%get3A_270, %get3A_271] {strides = array<i32>} : memref<64x512xf32, #tpu.memory_space<vmem>>, vector<1x16xf32>,
      %get3A_273 = vector.shape_cast %get3A_272 : vector<1x16xf32> to vector<16xf32>
      %get3A_274 = arith.index_cast %scan3A_24 : i32 to index
      %get3A_275 = arith.constant 208 : index
      %get3A_276 = tpu.vector_load %arg12[%get3A_274, %get3A_275] {strides = array<i32>} : memref<64x512xf32, #tpu.memory_space<vmem>>, vector<1x16xf32>,
      %get3A_277 = vector.shape_cast %get3A_276 : vector<1x16xf32> to vector<16xf32>
      %add3A_278 = arith.addf %get3A_273, %get3A_277 : vector<16xf32>
      %get3A_279 = arith.index_cast %scan3A_24 : i32 to index
      %get3A_280 = arith.constant 208 : index
      %get3A_281 = tpu.vector_load %arg13[%get3A_279, %get3A_280] {strides = array<i32>} : memref<64x512xf32, #tpu.memory_space<vmem>>, vector<1x16xf32>,
      %get3A_282 = vector.shape_cast %get3A_281 : vector<1x16xf32> to vector<16xf32>
      %add3A_283 = arith.addf %add3A_278, %get3A_282 : vector<16xf32>
      %swap3A_284 = arith.index_cast %scan3A_24 : i32 to index
      %swap3A_285 = arith.constant 208 : index
      %swap3A_286 = tpu.vector_load %arg11[%swap3A_284, %swap3A_285] {strides = array<i32>} : memref<64x512xf32, #tpu.memory_space<vmem>>, vector<1x16xf32>,
      %swap3A_287 = vector.shape_cast %swap3A_286 : vector<1x16xf32> to vector<16xf32>
      %swap3A_288 = vector.shape_cast %add3A_283 : vector<16xf32> to vector<1x16xf32>
      tpu.vector_store %arg11[%swap3A_284, %swap3A_285], %swap3A_288 {strides = array<i32>} : memref<64x512xf32, #tpu.memory_space<vmem>>, vector<1x16xf32>,
      %get3A_289 = arith.index_cast %scan3A_24 : i32 to index
      %get3A_290 = arith.constant 224 : index
      %get3A_291 = tpu.vector_load %arg11[%get3A_289, %get3A_290] {strides = array<i32>} : memref<64x512xf32, #tpu.memory_space<vmem>>, vector<1x16xf32>,
      %get3A_292 = vector.shape_cast %get3A_291 : vector<1x16xf32> to vector<16xf32>
      %get3A_293 = arith.index_cast %scan3A_24 : i32 to index
      %get3A_294 = arith.constant 224 : index
      %get3A_295 = tpu.vector_load %arg12[%get3A_293, %get3A_294] {strides = array<i32>} : memref<64x512xf32, #tpu.memory_space<vmem>>, vector<1x16xf32>,
      %get3A_296 = vector.shape_cast %get3A_295 : vector<1x16xf32> to vector<16xf32>
      %add3A_297 = arith.addf %get3A_292, %get3A_296 : vector<16xf32>
      %get3A_298 = arith.index_cast %scan3A_24 : i32 to index
      %get3A_299 = arith.constant 224 : index
      %get3A_300 = tpu.vector_load %arg13[%get3A_298, %get3A_299] {strides = array<i32>} : memref<64x512xf32, #tpu.memory_space<vmem>>, vector<1x16xf32>,
      %get3A_301 = vector.shape_cast %get3A_300 : vector<1x16xf32> to vector<16xf32>
      %add3A_302 = arith.addf %add3A_297, %get3A_301 : vector<16xf32>
      %swap3A_303 = arith.index_cast %scan3A_24 : i32 to index
      %swap3A_304 = arith.constant 224 : index
      %swap3A_305 = tpu.vector_load %arg11[%swap3A_303, %swap3A_304] {strides = array<i32>} : memref<64x512xf32, #tpu.memory_space<vmem>>, vector<1x16xf32>,
      %swap3A_306 = vector.shape_cast %swap3A_305 : vector<1x16xf32> to vector<16xf32>
      %swap3A_307 = vector.shape_cast %add3A_302 : vector<16xf32> to vector<1x16xf32>
      tpu.vector_store %arg11[%swap3A_303, %swap3A_304], %swap3A_307 {strides = array<i32>} : memref<64x512xf32, #tpu.memory_space<vmem>>, vector<1x16xf32>,
      %get3A_308 = arith.index_cast %scan3A_24 : i32 to index
      %get3A_309 = arith.constant 240 : index
      %get3A_310 = tpu.vector_load %arg11[%get3A_308, %get3A_309] {strides = array<i32>} : memref<64x512xf32, #tpu.memory_space<vmem>>, vector<1x16xf32>,
      %get3A_311 = vector.shape_cast %get3A_310 : vector<1x16xf32> to vector<16xf32>
      %get3A_312 = arith.index_cast %scan3A_24 : i32 to index
      %get3A_313 = arith.constant 240 : index
      %get3A_314 = tpu.vector_load %arg12[%get3A_312, %get3A_313] {strides = array<i32>} : memref<64x512xf32, #tpu.memory_space<vmem>>, vector<1x16xf32>,
      %get3A_315 = vector.shape_cast %get3A_314 : vector<1x16xf32> to vector<16xf32>
      %add3A_316 = arith.addf %get3A_311, %get3A_315 : vector<16xf32>
      %get3A_317 = arith.index_cast %scan3A_24 : i32 to index
      %get3A_318 = arith.constant 240 : index
      %get3A_319 = tpu.vector_load %arg13[%get3A_317, %get3A_318] {strides = array<i32>} : memref<64x512xf32, #tpu.memory_space<vmem>>, vector<1x16xf32>,
      %get3A_320 = vector.shape_cast %get3A_319 : vector<1x16xf32> to vector<16xf32>
      %add3A_321 = arith.addf %add3A_316, %get3A_320 : vector<16xf32>
      %swap3A_322 = arith.index_cast %scan3A_24 : i32 to index
      %swap3A_323 = arith.constant 240 : index
      %swap3A_324 = tpu.vector_load %arg11[%swap3A_322, %swap3A_323] {strides = array<i32>} : memref<64x512xf32, #tpu.memory_space<vmem>>, vector<1x16xf32>,
      %swap3A_325 = vector.shape_cast %swap3A_324 : vector<1x16xf32> to vector<16xf32>
      %swap3A_326 = vector.shape_cast %add3A_321 : vector<16xf32> to vector<1x16xf32>
      tpu.vector_store %arg11[%swap3A_322, %swap3A_323], %swap3A_326 {strides = array<i32>} : memref<64x512xf32, #tpu.memory_space<vmem>>, vector<1x16xf32>,
      %get3A_327 = arith.index_cast %scan3A_24 : i32 to index
      %get3A_328 = arith.constant 256 : index
      %get3A_329 = tpu.vector_load %arg11[%get3A_327, %get3A_328] {strides = array<i32>} : memref<64x512xf32, #tpu.memory_space<vmem>>, vector<1x16xf32>,
      %get3A_330 = vector.shape_cast %get3A_329 : vector<1x16xf32> to vector<16xf32>
      %get3A_331 = arith.index_cast %scan3A_24 : i32 to index
      %get3A_332 = arith.constant 256 : index
      %get3A_333 = tpu.vector_load %arg12[%get3A_331, %get3A_332] {strides = array<i32>} : memref<64x512xf32, #tpu.memory_space<vmem>>, vector<1x16xf32>,
      %get3A_334 = vector.shape_cast %get3A_333 : vector<1x16xf32> to vector<16xf32>
      %add3A_335 = arith.addf %get3A_330, %get3A_334 : vector<16xf32>
      %get3A_336 = arith.index_cast %scan3A_24 : i32 to index
      %get3A_337 = arith.constant 256 : index
      %get3A_338 = tpu.vector_load %arg13[%get3A_336, %get3A_337] {strides = array<i32>} : memref<64x512xf32, #tpu.memory_space<vmem>>, vector<1x16xf32>,
      %get3A_339 = vector.shape_cast %get3A_338 : vector<1x16xf32> to vector<16xf32>
      %add3A_340 = arith.addf %add3A_335, %get3A_339 : vector<16xf32>
      %swap3A_341 = arith.index_cast %scan3A_24 : i32 to index
      %swap3A_342 = arith.constant 256 : index
      %swap3A_343 = tpu.vector_load %arg11[%swap3A_341, %swap3A_342] {strides = array<i32>} : memref<64x512xf32, #tpu.memory_space<vmem>>, vector<1x16xf32>,
      %swap3A_344 = vector.shape_cast %swap3A_343 : vector<1x16xf32> to vector<16xf32>
      %swap3A_345 = vector.shape_cast %add3A_340 : vector<16xf32> to vector<1x16xf32>
      tpu.vector_store %arg11[%swap3A_341, %swap3A_342], %swap3A_345 {strides = array<i32>} : memref<64x512xf32, #tpu.memory_space<vmem>>, vector<1x16xf32>,
      %get3A_346 = arith.index_cast %scan3A_24 : i32 to index
      %get3A_347 = arith.constant 272 : index
      %get3A_348 = tpu.vector_load %arg11[%get3A_346, %get3A_347] {strides = array<i32>} : memref<64x512xf32, #tpu.memory_space<vmem>>, vector<1x16xf32>,
      %get3A_349 = vector.shape_cast %get3A_348 : vector<1x16xf32> to vector<16xf32>
      %get3A_350 = arith.index_cast %scan3A_24 : i32 to index
      %get3A_351 = arith.constant 272 : index
      %get3A_352 = tpu.vector_load %arg12[%get3A_350, %get3A_351] {strides = array<i32>} : memref<64x512xf32, #tpu.memory_space<vmem>>, vector<1x16xf32>,
      %get3A_353 = vector.shape_cast %get3A_352 : vector<1x16xf32> to vector<16xf32>
      %add3A_354 = arith.addf %get3A_349, %get3A_353 : vector<16xf32>
      %get3A_355 = arith.index_cast %scan3A_24 : i32 to index
      %get3A_356 = arith.constant 272 : index
      %get3A_357 = tpu.vector_load %arg13[%get3A_355, %get3A_356] {strides = array<i32>} : memref<64x512xf32, #tpu.memory_space<vmem>>, vector<1x16xf32>,
      %get3A_358 = vector.shape_cast %get3A_357 : vector<1x16xf32> to vector<16xf32>
      %add3A_359 = arith.addf %add3A_354, %get3A_358 : vector<16xf32>
      %swap3A_360 = arith.index_cast %scan3A_24 : i32 to index
      %swap3A_361 = arith.constant 272 : index
      %swap3A_362 = tpu.vector_load %arg11[%swap3A_360, %swap3A_361] {strides = array<i32>} : memref<64x512xf32, #tpu.memory_space<vmem>>, vector<1x16xf32>,
      %swap3A_363 = vector.shape_cast %swap3A_362 : vector<1x16xf32> to vector<16xf32>
      %swap3A_364 = vector.shape_cast %add3A_359 : vector<16xf32> to vector<1x16xf32>
      tpu.vector_store %arg11[%swap3A_360, %swap3A_361], %swap3A_364 {strides = array<i32>} : memref<64x512xf32, #tpu.memory_space<vmem>>, vector<1x16xf32>,
      %get3A_365 = arith.index_cast %scan3A_24 : i32 to index
      %get3A_366 = arith.constant 288 : index
      %get3A_367 = tpu.vector_load %arg11[%get3A_365, %get3A_366] {strides = array<i32>} : memref<64x512xf32, #tpu.memory_space<vmem>>, vector<1x16xf32>,
      %get3A_368 = vector.shape_cast %get3A_367 : vector<1x16xf32> to vector<16xf32>
      %get3A_369 = arith.index_cast %scan3A_24 : i32 to index
      %get3A_370 = arith.constant 288 : index
      %get3A_371 = tpu.vector_load %arg12[%get3A_369, %get3A_370] {strides = array<i32>} : memref<64x512xf32, #tpu.memory_space<vmem>>, vector<1x16xf32>,
      %get3A_372 = vector.shape_cast %get3A_371 : vector<1x16xf32> to vector<16xf32>
      %add3A_373 = arith.addf %get3A_368, %get3A_372 : vector<16xf32>
      %get3A_374 = arith.index_cast %scan3A_24 : i32 to index
      %get3A_375 = arith.constant 288 : index
      %get3A_376 = tpu.vector_load %arg13[%get3A_374, %get3A_375] {strides = array<i32>} : memref<64x512xf32, #tpu.memory_space<vmem>>, vector<1x16xf32>,
      %get3A_377 = vector.shape_cast %get3A_376 : vector<1x16xf32> to vector<16xf32>
      %add3A_378 = arith.addf %add3A_373, %get3A_377 : vector<16xf32>
      %swap3A_379 = arith.index_cast %scan3A_24 : i32 to index
      %swap3A_380 = arith.constant 288 : index
      %swap3A_381 = tpu.vector_load %arg11[%swap3A_379, %swap3A_380] {strides = array<i32>} : memref<64x512xf32, #tpu.memory_space<vmem>>, vector<1x16xf32>,
      %swap3A_382 = vector.shape_cast %swap3A_381 : vector<1x16xf32> to vector<16xf32>
      %swap3A_383 = vector.shape_cast %add3A_378 : vector<16xf32> to vector<1x16xf32>
      tpu.vector_store %arg11[%swap3A_379, %swap3A_380], %swap3A_383 {strides = array<i32>} : memref<64x512xf32, #tpu.memory_space<vmem>>, vector<1x16xf32>,
      %get3A_384 = arith.index_cast %scan3A_24 : i32 to index
      %get3A_385 = arith.constant 304 : index
      %get3A_386 = tpu.vector_load %arg11[%get3A_384, %get3A_385] {strides = array<i32>} : memref<64x512xf32, #tpu.memory_space<vmem>>, vector<1x16xf32>,
      %get3A_387 = vector.shape_cast %get3A_386 : vector<1x16xf32> to vector<16xf32>
      %get3A_388 = arith.index_cast %scan3A_24 : i32 to index
      %get3A_389 = arith.constant 304 : index
      %get3A_390 = tpu.vector_load %arg12[%get3A_388, %get3A_389] {strides = array<i32>} : memref<64x512xf32, #tpu.memory_space<vmem>>, vector<1x16xf32>,
      %get3A_391 = vector.shape_cast %get3A_390 : vector<1x16xf32> to vector<16xf32>
      %add3A_392 = arith.addf %get3A_387, %get3A_391 : vector<16xf32>
      %get3A_393 = arith.index_cast %scan3A_24 : i32 to index
      %get3A_394 = arith.constant 304 : index
      %get3A_395 = tpu.vector_load %arg13[%get3A_393, %get3A_394] {strides = array<i32>} : memref<64x512xf32, #tpu.memory_space<vmem>>, vector<1x16xf32>,
      %get3A_396 = vector.shape_cast %get3A_395 : vector<1x16xf32> to vector<16xf32>
      %add3A_397 = arith.addf %add3A_392, %get3A_396 : vector<16xf32>
      %swap3A_398 = arith.index_cast %scan3A_24 : i32 to index
      %swap3A_399 = arith.constant 304 : index
      %swap3A_400 = tpu.vector_load %arg11[%swap3A_398, %swap3A_399] {strides = array<i32>} : memref<64x512xf32, #tpu.memory_space<vmem>>, vector<1x16xf32>,
      %swap3A_401 = vector.shape_cast %swap3A_400 : vector<1x16xf32> to vector<16xf32>
      %swap3A_402 = vector.shape_cast %add3A_397 : vector<16xf32> to vector<1x16xf32>
      tpu.vector_store %arg11[%swap3A_398, %swap3A_399], %swap3A_402 {strides = array<i32>} : memref<64x512xf32, #tpu.memory_space<vmem>>, vector<1x16xf32>,
      %get3A_403 = arith.index_cast %scan3A_24 : i32 to index
      %get3A_404 = arith.constant 320 : index
      %get3A_405 = tpu.vector_load %arg11[%get3A_403, %get3A_404] {strides = array<i32>} : memref<64x512xf32, #tpu.memory_space<vmem>>, vector<1x16xf32>,
      %get3A_406 = vector.shape_cast %get3A_405 : vector<1x16xf32> to vector<16xf32>
      %get3A_407 = arith.index_cast %scan3A_24 : i32 to index
      %get3A_408 = arith.constant 320 : index
      %get3A_409 = tpu.vector_load %arg12[%get3A_407, %get3A_408] {strides = array<i32>} : memref<64x512xf32, #tpu.memory_space<vmem>>, vector<1x16xf32>,
      %get3A_410 = vector.shape_cast %get3A_409 : vector<1x16xf32> to vector<16xf32>
      %add3A_411 = arith.addf %get3A_406, %get3A_410 : vector<16xf32>
      %get3A_412 = arith.index_cast %scan3A_24 : i32 to index
      %get3A_413 = arith.constant 320 : index
      %get3A_414 = tpu.vector_load %arg13[%get3A_412, %get3A_413] {strides = array<i32>} : memref<64x512xf32, #tpu.memory_space<vmem>>, vector<1x16xf32>,
      %get3A_415 = vector.shape_cast %get3A_414 : vector<1x16xf32> to vector<16xf32>
      %add3A_416 = arith.addf %add3A_411, %get3A_415 : vector<16xf32>
      %swap3A_417 = arith.index_cast %scan3A_24 : i32 to index
      %swap3A_418 = arith.constant 320 : index
      %swap3A_419 = tpu.vector_load %arg11[%swap3A_417, %swap3A_418] {strides = array<i32>} : memref<64x512xf32, #tpu.memory_space<vmem>>, vector<1x16xf32>,
      %swap3A_420 = vector.shape_cast %swap3A_419 : vector<1x16xf32> to vector<16xf32>
      %swap3A_421 = vector.shape_cast %add3A_416 : vector<16xf32> to vector<1x16xf32>
      tpu.vector_store %arg11[%swap3A_417, %swap3A_418], %swap3A_421 {strides = array<i32>} : memref<64x512xf32, #tpu.memory_space<vmem>>, vector<1x16xf32>,
      %get3A_422 = arith.index_cast %scan3A_24 : i32 to index
      %get3A_423 = arith.constant 336 : index
      %get3A_424 = tpu.vector_load %arg11[%get3A_422, %get3A_423] {strides = array<i32>} : memref<64x512xf32, #tpu.memory_space<vmem>>, vector<1x16xf32>,
      %get3A_425 = vector.shape_cast %get3A_424 : vector<1x16xf32> to vector<16xf32>
      %get3A_426 = arith.index_cast %scan3A_24 : i32 to index
      %get3A_427 = arith.constant 336 : index
      %get3A_428 = tpu.vector_load %arg12[%get3A_426, %get3A_427] {strides = array<i32>} : memref<64x512xf32, #tpu.memory_space<vmem>>, vector<1x16xf32>,
      %get3A_429 = vector.shape_cast %get3A_428 : vector<1x16xf32> to vector<16xf32>
      %add3A_430 = arith.addf %get3A_425, %get3A_429 : vector<16xf32>
      %get3A_431 = arith.index_cast %scan3A_24 : i32 to index
      %get3A_432 = arith.constant 336 : index
      %get3A_433 = tpu.vector_load %arg13[%get3A_431, %get3A_432] {strides = array<i32>} : memref<64x512xf32, #tpu.memory_space<vmem>>, vector<1x16xf32>,
      %get3A_434 = vector.shape_cast %get3A_433 : vector<1x16xf32> to vector<16xf32>
      %add3A_435 = arith.addf %add3A_430, %get3A_434 : vector<16xf32>
      %swap3A_436 = arith.index_cast %scan3A_24 : i32 to index
      %swap3A_437 = arith.constant 336 : index
      %swap3A_438 = tpu.vector_load %arg11[%swap3A_436, %swap3A_437] {strides = array<i32>} : memref<64x512xf32, #tpu.memory_space<vmem>>, vector<1x16xf32>,
      %swap3A_439 = vector.shape_cast %swap3A_438 : vector<1x16xf32> to vector<16xf32>
      %swap3A_440 = vector.shape_cast %add3A_435 : vector<16xf32> to vector<1x16xf32>
      tpu.vector_store %arg11[%swap3A_436, %swap3A_437], %swap3A_440 {strides = array<i32>} : memref<64x512xf32, #tpu.memory_space<vmem>>, vector<1x16xf32>,
      %get3A_441 = arith.index_cast %scan3A_24 : i32 to index
      %get3A_442 = arith.constant 352 : index
      %get3A_443 = tpu.vector_load %arg11[%get3A_441, %get3A_442] {strides = array<i32>} : memref<64x512xf32, #tpu.memory_space<vmem>>, vector<1x16xf32>,
      %get3A_444 = vector.shape_cast %get3A_443 : vector<1x16xf32> to vector<16xf32>
      %get3A_445 = arith.index_cast %scan3A_24 : i32 to index
      %get3A_446 = arith.constant 352 : index
      %get3A_447 = tpu.vector_load %arg12[%get3A_445, %get3A_446] {strides = array<i32>} : memref<64x512xf32, #tpu.memory_space<vmem>>, vector<1x16xf32>,
      %get3A_448 = vector.shape_cast %get3A_447 : vector<1x16xf32> to vector<16xf32>
      %add3A_449 = arith.addf %get3A_444, %get3A_448 : vector<16xf32>
      %get3A_450 = arith.index_cast %scan3A_24 : i32 to index
      %get3A_451 = arith.constant 352 : index
      %get3A_452 = tpu.vector_load %arg13[%get3A_450, %get3A_451] {strides = array<i32>} : memref<64x512xf32, #tpu.memory_space<vmem>>, vector<1x16xf32>,
      %get3A_453 = vector.shape_cast %get3A_452 : vector<1x16xf32> to vector<16xf32>
      %add3A_454 = arith.addf %add3A_449, %get3A_453 : vector<16xf32>
      %swap3A_455 = arith.index_cast %scan3A_24 : i32 to index
      %swap3A_456 = arith.constant 352 : index
      %swap3A_457 = tpu.vector_load %arg11[%swap3A_455, %swap3A_456] {strides = array<i32>} : memref<64x512xf32, #tpu.memory_space<vmem>>, vector<1x16xf32>,
      %swap3A_458 = vector.shape_cast %swap3A_457 : vector<1x16xf32> to vector<16xf32>
      %swap3A_459 = vector.shape_cast %add3A_454 : vector<16xf32> to vector<1x16xf32>
      tpu.vector_store %arg11[%swap3A_455, %swap3A_456], %swap3A_459 {strides = array<i32>} : memref<64x512xf32, #tpu.memory_space<vmem>>, vector<1x16xf32>,
      %get3A_460 = arith.index_cast %scan3A_24 : i32 to index
      %get3A_461 = arith.constant 368 : index
      %get3A_462 = tpu.vector_load %arg11[%get3A_460, %get3A_461] {strides = array<i32>} : memref<64x512xf32, #tpu.memory_space<vmem>>, vector<1x16xf32>,
      %get3A_463 = vector.shape_cast %get3A_462 : vector<1x16xf32> to vector<16xf32>
      %get3A_464 = arith.index_cast %scan3A_24 : i32 to index
      %get3A_465 = arith.constant 368 : index
      %get3A_466 = tpu.vector_load %arg12[%get3A_464, %get3A_465] {strides = array<i32>} : memref<64x512xf32, #tpu.memory_space<vmem>>, vector<1x16xf32>,
      %get3A_467 = vector.shape_cast %get3A_466 : vector<1x16xf32> to vector<16xf32>
      %add3A_468 = arith.addf %get3A_463, %get3A_467 : vector<16xf32>
      %get3A_469 = arith.index_cast %scan3A_24 : i32 to index
      %get3A_470 = arith.constant 368 : index
      %get3A_471 = tpu.vector_load %arg13[%get3A_469, %get3A_470] {strides = array<i32>} : memref<64x512xf32, #tpu.memory_space<vmem>>, vector<1x16xf32>,
      %get3A_472 = vector.shape_cast %get3A_471 : vector<1x16xf32> to vector<16xf32>
      %add3A_473 = arith.addf %add3A_468, %get3A_472 : vector<16xf32>
      %swap3A_474 = arith.index_cast %scan3A_24 : i32 to index
      %swap3A_475 = arith.constant 368 : index
      %swap3A_476 = tpu.vector_load %arg11[%swap3A_474, %swap3A_475] {strides = array<i32>} : memref<64x512xf32, #tpu.memory_space<vmem>>, vector<1x16xf32>,
      %swap3A_477 = vector.shape_cast %swap3A_476 : vector<1x16xf32> to vector<16xf32>
      %swap3A_478 = vector.shape_cast %add3A_473 : vector<16xf32> to vector<1x16xf32>
      tpu.vector_store %arg11[%swap3A_474, %swap3A_475], %swap3A_478 {strides = array<i32>} : memref<64x512xf32, #tpu.memory_space<vmem>>, vector<1x16xf32>,
      %get3A_479 = arith.index_cast %scan3A_24 : i32 to index
      %get3A_480 = arith.constant 384 : index
      %get3A_481 = tpu.vector_load %arg11[%get3A_479, %get3A_480] {strides = array<i32>} : memref<64x512xf32, #tpu.memory_space<vmem>>, vector<1x16xf32>,
      %get3A_482 = vector.shape_cast %get3A_481 : vector<1x16xf32> to vector<16xf32>
      %get3A_483 = arith.index_cast %scan3A_24 : i32 to index
      %get3A_484 = arith.constant 384 : index
      %get3A_485 = tpu.vector_load %arg12[%get3A_483, %get3A_484] {strides = array<i32>} : memref<64x512xf32, #tpu.memory_space<vmem>>, vector<1x16xf32>,
      %get3A_486 = vector.shape_cast %get3A_485 : vector<1x16xf32> to vector<16xf32>
      %add3A_487 = arith.addf %get3A_482, %get3A_486 : vector<16xf32>
      %get3A_488 = arith.index_cast %scan3A_24 : i32 to index
      %get3A_489 = arith.constant 384 : index
      %get3A_490 = tpu.vector_load %arg13[%get3A_488, %get3A_489] {strides = array<i32>} : memref<64x512xf32, #tpu.memory_space<vmem>>, vector<1x16xf32>,
      %get3A_491 = vector.shape_cast %get3A_490 : vector<1x16xf32> to vector<16xf32>
      %add3A_492 = arith.addf %add3A_487, %get3A_491 : vector<16xf32>
      %swap3A_493 = arith.index_cast %scan3A_24 : i32 to index
      %swap3A_494 = arith.constant 384 : index
      %swap3A_495 = tpu.vector_load %arg11[%swap3A_493, %swap3A_494] {strides = array<i32>} : memref<64x512xf32, #tpu.memory_space<vmem>>, vector<1x16xf32>,
      %swap3A_496 = vector.shape_cast %swap3A_495 : vector<1x16xf32> to vector<16xf32>
      %swap3A_497 = vector.shape_cast %add3A_492 : vector<16xf32> to vector<1x16xf32>
      tpu.vector_store %arg11[%swap3A_493, %swap3A_494], %swap3A_497 {strides = array<i32>} : memref<64x512xf32, #tpu.memory_space<vmem>>, vector<1x16xf32>,
      %get3A_498 = arith.index_cast %scan3A_24 : i32 to index
      %get3A_499 = arith.constant 400 : index
      %get3A_500 = tpu.vector_load %arg11[%get3A_498, %get3A_499] {strides = array<i32>} : memref<64x512xf32, #tpu.memory_space<vmem>>, vector<1x16xf32>,
      %get3A_501 = vector.shape_cast %get3A_500 : vector<1x16xf32> to vector<16xf32>
      %get3A_502 = arith.index_cast %scan3A_24 : i32 to index
      %get3A_503 = arith.constant 400 : index
      %get3A_504 = tpu.vector_load %arg12[%get3A_502, %get3A_503] {strides = array<i32>} : memref<64x512xf32, #tpu.memory_space<vmem>>, vector<1x16xf32>,
      %get3A_505 = vector.shape_cast %get3A_504 : vector<1x16xf32> to vector<16xf32>
      %add3A_506 = arith.addf %get3A_501, %get3A_505 : vector<16xf32>
      %get3A_507 = arith.index_cast %scan3A_24 : i32 to index
      %get3A_508 = arith.constant 400 : index
      %get3A_509 = tpu.vector_load %arg13[%get3A_507, %get3A_508] {strides = array<i32>} : memref<64x512xf32, #tpu.memory_space<vmem>>, vector<1x16xf32>,
      %get3A_510 = vector.shape_cast %get3A_509 : vector<1x16xf32> to vector<16xf32>
      %add3A_511 = arith.addf %add3A_506, %get3A_510 : vector<16xf32>
      %swap3A_512 = arith.index_cast %scan3A_24 : i32 to index
      %swap3A_513 = arith.constant 400 : index
      %swap3A_514 = tpu.vector_load %arg11[%swap3A_512, %swap3A_513] {strides = array<i32>} : memref<64x512xf32, #tpu.memory_space<vmem>>, vector<1x16xf32>,
      %swap3A_515 = vector.shape_cast %swap3A_514 : vector<1x16xf32> to vector<16xf32>
      %swap3A_516 = vector.shape_cast %add3A_511 : vector<16xf32> to vector<1x16xf32>
      tpu.vector_store %arg11[%swap3A_512, %swap3A_513], %swap3A_516 {strides = array<i32>} : memref<64x512xf32, #tpu.memory_space<vmem>>, vector<1x16xf32>,
      %get3A_517 = arith.index_cast %scan3A_24 : i32 to index
      %get3A_518 = arith.constant 416 : index
      %get3A_519 = tpu.vector_load %arg11[%get3A_517, %get3A_518] {strides = array<i32>} : memref<64x512xf32, #tpu.memory_space<vmem>>, vector<1x16xf32>,
      %get3A_520 = vector.shape_cast %get3A_519 : vector<1x16xf32> to vector<16xf32>
      %get3A_521 = arith.index_cast %scan3A_24 : i32 to index
      %get3A_522 = arith.constant 416 : index
      %get3A_523 = tpu.vector_load %arg12[%get3A_521, %get3A_522] {strides = array<i32>} : memref<64x512xf32, #tpu.memory_space<vmem>>, vector<1x16xf32>,
      %get3A_524 = vector.shape_cast %get3A_523 : vector<1x16xf32> to vector<16xf32>
      %add3A_525 = arith.addf %get3A_520, %get3A_524 : vector<16xf32>
      %get3A_526 = arith.index_cast %scan3A_24 : i32 to index
      %get3A_527 = arith.constant 416 : index
      %get3A_528 = tpu.vector_load %arg13[%get3A_526, %get3A_527] {strides = array<i32>} : memref<64x512xf32, #tpu.memory_space<vmem>>, vector<1x16xf32>,
      %get3A_529 = vector.shape_cast %get3A_528 : vector<1x16xf32> to vector<16xf32>
      %add3A_530 = arith.addf %add3A_525, %get3A_529 : vector<16xf32>
      %swap3A_531 = arith.index_cast %scan3A_24 : i32 to index
      %swap3A_532 = arith.constant 416 : index
      %swap3A_533 = tpu.vector_load %arg11[%swap3A_531, %swap3A_532] {strides = array<i32>} : memref<64x512xf32, #tpu.memory_space<vmem>>, vector<1x16xf32>,
      %swap3A_534 = vector.shape_cast %swap3A_533 : vector<1x16xf32> to vector<16xf32>
      %swap3A_535 = vector.shape_cast %add3A_530 : vector<16xf32> to vector<1x16xf32>
      tpu.vector_store %arg11[%swap3A_531, %swap3A_532], %swap3A_535 {strides = array<i32>} : memref<64x512xf32, #tpu.memory_space<vmem>>, vector<1x16xf32>,
      %get3A_536 = arith.index_cast %scan3A_24 : i32 to index
      %get3A_537 = arith.constant 432 : index
      %get3A_538 = tpu.vector_load %arg11[%get3A_536, %get3A_537] {strides = array<i32>} : memref<64x512xf32, #tpu.memory_space<vmem>>, vector<1x16xf32>,
      %get3A_539 = vector.shape_cast %get3A_538 : vector<1x16xf32> to vector<16xf32>
      %get3A_540 = arith.index_cast %scan3A_24 : i32 to index
      %get3A_541 = arith.constant 432 : index
      %get3A_542 = tpu.vector_load %arg12[%get3A_540, %get3A_541] {strides = array<i32>} : memref<64x512xf32, #tpu.memory_space<vmem>>, vector<1x16xf32>,
      %get3A_543 = vector.shape_cast %get3A_542 : vector<1x16xf32> to vector<16xf32>
      %add3A_544 = arith.addf %get3A_539, %get3A_543 : vector<16xf32>
      %get3A_545 = arith.index_cast %scan3A_24 : i32 to index
      %get3A_546 = arith.constant 432 : index
      %get3A_547 = tpu.vector_load %arg13[%get3A_545, %get3A_546] {strides = array<i32>} : memref<64x512xf32, #tpu.memory_space<vmem>>, vector<1x16xf32>,
      %get3A_548 = vector.shape_cast %get3A_547 : vector<1x16xf32> to vector<16xf32>
      %add3A_549 = arith.addf %add3A_544, %get3A_548 : vector<16xf32>
      %swap3A_550 = arith.index_cast %scan3A_24 : i32 to index
      %swap3A_551 = arith.constant 432 : index
      %swap3A_552 = tpu.vector_load %arg11[%swap3A_550, %swap3A_551] {strides = array<i32>} : memref<64x512xf32, #tpu.memory_space<vmem>>, vector<1x16xf32>,
      %swap3A_553 = vector.shape_cast %swap3A_552 : vector<1x16xf32> to vector<16xf32>
      %swap3A_554 = vector.shape_cast %add3A_549 : vector<16xf32> to vector<1x16xf32>
      tpu.vector_store %arg11[%swap3A_550, %swap3A_551], %swap3A_554 {strides = array<i32>} : memref<64x512xf32, #tpu.memory_space<vmem>>, vector<1x16xf32>,
      %get3A_555 = arith.index_cast %scan3A_24 : i32 to index
      %get3A_556 = arith.constant 448 : index
      %get3A_557 = tpu.vector_load %arg11[%get3A_555, %get3A_556] {strides = array<i32>} : memref<64x512xf32, #tpu.memory_space<vmem>>, vector<1x16xf32>,
      %get3A_558 = vector.shape_cast %get3A_557 : vector<1x16xf32> to vector<16xf32>
      %get3A_559 = arith.index_cast %scan3A_24 : i32 to index
      %get3A_560 = arith.constant 448 : index
      %get3A_561 = tpu.vector_load %arg12[%get3A_559, %get3A_560] {strides = array<i32>} : memref<64x512xf32, #tpu.memory_space<vmem>>, vector<1x16xf32>,
      %get3A_562 = vector.shape_cast %get3A_561 : vector<1x16xf32> to vector<16xf32>
      %add3A_563 = arith.addf %get3A_558, %get3A_562 : vector<16xf32>
      %get3A_564 = arith.index_cast %scan3A_24 : i32 to index
      %get3A_565 = arith.constant 448 : index
      %get3A_566 = tpu.vector_load %arg13[%get3A_564, %get3A_565] {strides = array<i32>} : memref<64x512xf32, #tpu.memory_space<vmem>>, vector<1x16xf32>,
      %get3A_567 = vector.shape_cast %get3A_566 : vector<1x16xf32> to vector<16xf32>
      %add3A_568 = arith.addf %add3A_563, %get3A_567 : vector<16xf32>
      %swap3A_569 = arith.index_cast %scan3A_24 : i32 to index
      %swap3A_570 = arith.constant 448 : index
      %swap3A_571 = tpu.vector_load %arg11[%swap3A_569, %swap3A_570] {strides = array<i32>} : memref<64x512xf32, #tpu.memory_space<vmem>>, vector<1x16xf32>,
      %swap3A_572 = vector.shape_cast %swap3A_571 : vector<1x16xf32> to vector<16xf32>
      %swap3A_573 = vector.shape_cast %add3A_568 : vector<16xf32> to vector<1x16xf32>
      tpu.vector_store %arg11[%swap3A_569, %swap3A_570], %swap3A_573 {strides = array<i32>} : memref<64x512xf32, #tpu.memory_space<vmem>>, vector<1x16xf32>,
      %get3A_574 = arith.index_cast %scan3A_24 : i32 to index
      %get3A_575 = arith.constant 464 : index
      %get3A_576 = tpu.vector_load %arg11[%get3A_574, %get3A_575] {strides = array<i32>} : memref<64x512xf32, #tpu.memory_space<vmem>>, vector<1x16xf32>,
      %get3A_577 = vector.shape_cast %get3A_576 : vector<1x16xf32> to vector<16xf32>
      %get3A_578 = arith.index_cast %scan3A_24 : i32 to index
      %get3A_579 = arith.constant 464 : index
      %get3A_580 = tpu.vector_load %arg12[%get3A_578, %get3A_579] {strides = array<i32>} : memref<64x512xf32, #tpu.memory_space<vmem>>, vector<1x16xf32>,
      %get3A_581 = vector.shape_cast %get3A_580 : vector<1x16xf32> to vector<16xf32>
      %add3A_582 = arith.addf %get3A_577, %get3A_581 : vector<16xf32>
      %get3A_583 = arith.index_cast %scan3A_24 : i32 to index
      %get3A_584 = arith.constant 464 : index
      %get3A_585 = tpu.vector_load %arg13[%get3A_583, %get3A_584] {strides = array<i32>} : memref<64x512xf32, #tpu.memory_space<vmem>>, vector<1x16xf32>,
      %get3A_586 = vector.shape_cast %get3A_585 : vector<1x16xf32> to vector<16xf32>
      %add3A_587 = arith.addf %add3A_582, %get3A_586 : vector<16xf32>
      %swap3A_588 = arith.index_cast %scan3A_24 : i32 to index
      %swap3A_589 = arith.constant 464 : index
      %swap3A_590 = tpu.vector_load %arg11[%swap3A_588, %swap3A_589] {strides = array<i32>} : memref<64x512xf32, #tpu.memory_space<vmem>>, vector<1x16xf32>,
      %swap3A_591 = vector.shape_cast %swap3A_590 : vector<1x16xf32> to vector<16xf32>
      %swap3A_592 = vector.shape_cast %add3A_587 : vector<16xf32> to vector<1x16xf32>
      tpu.vector_store %arg11[%swap3A_588, %swap3A_589], %swap3A_592 {strides = array<i32>} : memref<64x512xf32, #tpu.memory_space<vmem>>, vector<1x16xf32>,
      %get3A_593 = arith.index_cast %scan3A_24 : i32 to index
      %get3A_594 = arith.constant 480 : index
      %get3A_595 = tpu.vector_load %arg11[%get3A_593, %get3A_594] {strides = array<i32>} : memref<64x512xf32, #tpu.memory_space<vmem>>, vector<1x16xf32>,
      %get3A_596 = vector.shape_cast %get3A_595 : vector<1x16xf32> to vector<16xf32>
      %get3A_597 = arith.index_cast %scan3A_24 : i32 to index
      %get3A_598 = arith.constant 480 : index
      %get3A_599 = tpu.vector_load %arg12[%get3A_597, %get3A_598] {strides = array<i32>} : memref<64x512xf32, #tpu.memory_space<vmem>>, vector<1x16xf32>,
      %get3A_600 = vector.shape_cast %get3A_599 : vector<1x16xf32> to vector<16xf32>
      %add3A_601 = arith.addf %get3A_596, %get3A_600 : vector<16xf32>
      %get3A_602 = arith.index_cast %scan3A_24 : i32 to index
      %get3A_603 = arith.constant 480 : index
      %get3A_604 = tpu.vector_load %arg13[%get3A_602, %get3A_603] {strides = array<i32>} : memref<64x512xf32, #tpu.memory_space<vmem>>, vector<1x16xf32>,
      %get3A_605 = vector.shape_cast %get3A_604 : vector<1x16xf32> to vector<16xf32>
      %add3A_606 = arith.addf %add3A_601, %get3A_605 : vector<16xf32>
      %swap3A_607 = arith.index_cast %scan3A_24 : i32 to index
      %swap3A_608 = arith.constant 480 : index
      %swap3A_609 = tpu.vector_load %arg11[%swap3A_607, %swap3A_608] {strides = array<i32>} : memref<64x512xf32, #tpu.memory_space<vmem>>, vector<1x16xf32>,
      %swap3A_610 = vector.shape_cast %swap3A_609 : vector<1x16xf32> to vector<16xf32>
      %swap3A_611 = vector.shape_cast %add3A_606 : vector<16xf32> to vector<1x16xf32>
      tpu.vector_store %arg11[%swap3A_607, %swap3A_608], %swap3A_611 {strides = array<i32>} : memref<64x512xf32, #tpu.memory_space<vmem>>, vector<1x16xf32>,
      %get3A_612 = arith.index_cast %scan3A_24 : i32 to index
      %get3A_613 = arith.constant 496 : index
      %get3A_614 = tpu.vector_load %arg11[%get3A_612, %get3A_613] {strides = array<i32>} : memref<64x512xf32, #tpu.memory_space<vmem>>, vector<1x16xf32>,
      %get3A_615 = vector.shape_cast %get3A_614 : vector<1x16xf32> to vector<16xf32>
      %get3A_616 = arith.index_cast %scan3A_24 : i32 to index
      %get3A_617 = arith.constant 496 : index
      %get3A_618 = tpu.vector_load %arg12[%get3A_616, %get3A_617] {strides = array<i32>} : memref<64x512xf32, #tpu.memory_space<vmem>>, vector<1x16xf32>,
      %get3A_619 = vector.shape_cast %get3A_618 : vector<1x16xf32> to vector<16xf32>
      %add3A_620 = arith.addf %get3A_615, %get3A_619 : vector<16xf32>
      %get3A_621 = arith.index_cast %scan3A_24 : i32 to index
      %get3A_622 = arith.constant 496 : index
      %get3A_623 = tpu.vector_load %arg13[%get3A_621, %get3A_622] {strides = array<i32>} : memref<64x512xf32, #tpu.memory_space<vmem>>, vector<1x16xf32>,
      %get3A_624 = vector.shape_cast %get3A_623 : vector<1x16xf32> to vector<16xf32>
      %add3A_625 = arith.addf %add3A_620, %get3A_624 : vector<16xf32>
      %swap3A_626 = arith.index_cast %scan3A_24 : i32 to index
      %swap3A_627 = arith.constant 496 : index
      %swap3A_628 = tpu.vector_load %arg11[%swap3A_626, %swap3A_627] {strides = array<i32>} : memref<64x512xf32, #tpu.memory_space<vmem>>, vector<1x16xf32>,
      %swap3A_629 = vector.shape_cast %swap3A_628 : vector<1x16xf32> to vector<16xf32>
      %swap3A_630 = vector.shape_cast %add3A_625 : vector<16xf32> to vector<1x16xf32>
      tpu.vector_store %arg11[%swap3A_626, %swap3A_627], %swap3A_630 {strides = array<i32>} : memref<64x512xf32, #tpu.memory_space<vmem>>, vector<1x16xf32>,
    }
    %scan3A_23 = arith.constant 64 : i32
    "tpu.region"() ({
      %run_scoped3A = tpu.sem_alloc : memref<!tpu.dma_semaphore, #tpu.memory_space<semaphore_mem>>
      %dma_start3A_24 = arith.constant 0 : i32
      %dma_start3A_25 = tpu.memref_slice %arg7[%mul3A_2, %dma_start3A_24] : memref<2048x512xf32, #tpu.memory_space<hbm>> -> memref<64x512xf32, #tpu.memory_space<hbm>>
      %dma_start3A_26 = arith.constant 0 : i32
      %dma_start3A_27 = tpu.memref_slice %arg7[%mul3A_2, %dma_start3A_26] : memref<2048x512xf32, #tpu.memory_space<hbm>> -> memref<64x512xf32, #tpu.memory_space<hbm>>
      tpu.enqueue_dma source(%arg11 : memref<64x512xf32, #tpu.memory_space<vmem>>) target(%dma_start3A_27 : memref<64x512xf32, #tpu.memory_space<hbm>>) target_semaphore(%run_scoped3A : memref<!tpu.dma_semaphore, #tpu.memory_space<semaphore_mem>>)
      %dma_wait3A_28 = arith.constant 0 : i32
      %dma_wait3A_29 = tpu.memref_slice %arg7[%mul3A_2, %dma_wait3A_28] : memref<2048x512xf32, #tpu.memory_space<hbm>> -> memref<64x512xf32, #tpu.memory_space<hbm>>
      %dma_wait3A_30 = arith.constant 0 : i32
      %dma_wait3A_31 = tpu.memref_slice %arg7[%mul3A_2, %dma_wait3A_30] : memref<2048x512xf32, #tpu.memory_space<hbm>> -> memref<64x512xf32, #tpu.memory_space<hbm>>
      tpu.wait_dma2 semaphore(%run_scoped3A : memref<!tpu.dma_semaphore, #tpu.memory_space<semaphore_mem>>) src(%arg11 : memref<64x512xf32, #tpu.memory_space<vmem>>) dst(%dma_wait3A_31 : memref<64x512xf32, #tpu.memory_space<hbm>>)
      tpu.yield
    }) : () -> ()
    return
  }
}

module attributes {stable_mosaic.version = 14 : i64} {
  func.func @_idx_kern(%arg0: i32, %arg1: memref<256x510xf32, #tpu.memory_space<vmem>>, %arg2: memref<256x510xf32, #tpu.memory_space<vmem>>, %arg3: memref<510x128xf32, #tpu.memory_space<vmem>>, %arg4: memref<256x1xi32, #tpu.memory_space<vmem>>, %arg5: memref<256x1xi32, #tpu.memory_space<vmem>>) attributes {dimension_semantics = [#tpu.dimension_semantics<arbitrary>], iteration_bounds = array<i64: 8>, scalar_prefetch = 0 : i64, scratch_operands = 0 : i64, tpu.core_type = #tpu.core_type<tc>, window_params = [{transform_indices = @transform_0, window_bounds = array<i64: 256, 510>}, {transform_indices = @transform_1, window_bounds = array<i64: 256, 510>}, {pipeline_mode = #tpu.pipeline_mode<synchronous>, transform_indices = @transform_2, window_bounds = array<i64: 510, 128>}, {transform_indices = @transform_3, window_bounds = array<i64: 256, 1>}, {transform_indices = @transform_4, window_bounds = array<i64: 256, 1>}]} {
    %get3A = arith.constant 0 : index
    %get3A_0 = arith.constant 0 : index
    %get3A_1 = vector.load %arg3[%get3A, %get3A_0] : memref<510x128xf32, #tpu.memory_space<vmem>>, vector<510x128xf32>
    %mul3A = arith.mulf %get3A_1, %get3A_1 : vector<510x128xf32>
    %reduce_sum3A = arith.constant dense<0.000000e+00> : vector<128xf32>
    %reduce_sum3A_2 = vector.multi_reduction <add>, %mul3A, %reduce_sum3A [0] : vector<510x128xf32> to vector<128xf32>
    %broadcast_in_dim3A = vector.shape_cast %reduce_sum3A_2 : vector<128xf32> to vector<1x128xf32>
    %get3A_3 = arith.constant 0 : index
    %get3A_4 = arith.constant 0 : index
    %get3A_5 = vector.load %arg1[%get3A_3, %get3A_4] : memref<256x510xf32, #tpu.memory_space<vmem>>, vector<256x510xf32>
    %dot_general3A = arith.constant dense<0.000000e+00> : vector<256x128xf32>
    %dot_general3A_6 = tpu.matmul %get3A_5, %get3A_1, %dot_general3A {dimension_numbers = #tpu.dot_dimension_numbers<[1], [0], [0], [1], [0, 0, 1, 1], [], []>, precision = #tpu.contract_precision<fp32>, transpose_lhs_hint = false} : vector<256x510xf32>, vector<510x128xf32>, vector<256x128xf32> -> vector<256x128xf32>
    %mul3A_7 = arith.constant 2.000000e+00 : f32
    %mul3A_8 = vector.broadcast %mul3A_7 : f32 to vector<256x128xf32>
    %mul3A_9 = arith.mulf %mul3A_8, %dot_general3A_6 : vector<256x128xf32>
    %sub3A = vector.broadcast %broadcast_in_dim3A : vector<1x128xf32> to vector<256x128xf32>
    %sub3A_10 = arith.subf %sub3A, %mul3A_9 : vector<256x128xf32>
    %get3A_11 = arith.constant 0 : index
    %get3A_12 = arith.constant 0 : index
    %get3A_13 = vector.load %arg2[%get3A_11, %get3A_12] : memref<256x510xf32, #tpu.memory_space<vmem>>, vector<256x510xf32>
    %dot_general3A_14 = arith.constant dense<0.000000e+00> : vector<256x128xf32>
    %dot_general3A_15 = tpu.matmul %get3A_13, %get3A_1, %dot_general3A_14 {dimension_numbers = #tpu.dot_dimension_numbers<[1], [0], [0], [1], [0, 0, 1, 1], [], []>, precision = #tpu.contract_precision<fp32>, transpose_lhs_hint = false} : vector<256x510xf32>, vector<510x128xf32>, vector<256x128xf32> -> vector<256x128xf32>
    %mul3A_16 = arith.constant 2.000000e+00 : f32
    %mul3A_17 = vector.broadcast %mul3A_16 : f32 to vector<256x128xf32>
    %mul3A_18 = arith.mulf %mul3A_17, %dot_general3A_15 : vector<256x128xf32>
    %sub3A_19 = vector.broadcast %broadcast_in_dim3A : vector<1x128xf32> to vector<256x128xf32>
    %sub3A_20 = arith.subf %sub3A_19, %mul3A_18 : vector<256x128xf32>
    %iota3A = tpu.iota {dimensions = array<i32: 1>} : vector<256x128xi32>
    %reduce_min3A = arith.constant dense<0x7F800000> : vector<256xf32>
    %reduce_min3A_21 = vector.multi_reduction <minimumf>, %sub3A_10, %reduce_min3A [1] : vector<256x128xf32> to vector<256xf32>
    %broadcast_in_dim3A_22 = vector.shape_cast %reduce_min3A_21 : vector<256xf32> to vector<256x1xf32>
    %eq3A = vector.broadcast %broadcast_in_dim3A_22 : vector<256x1xf32> to vector<256x128xf32>
    %eq3A_23 = arith.cmpf oeq, %sub3A_10, %eq3A : vector<256x128xf32>
    %jit3A = arith.constant 128 : i32
    %broadcast_in_dim3A_24 = vector.broadcast %jit3A : i32 to vector<256x128xi32>
    %select_n3A = arith.select %eq3A_23, %iota3A, %broadcast_in_dim3A_24 : vector<256x128xi1>, vector<256x128xi32>
    %reduce_min3A_25 = arith.constant dense<2147483647> : vector<256xi32>
    %reduce_min3A_26 = vector.multi_reduction <minsi>, %select_n3A, %reduce_min3A_25 [1] : vector<256x128xi32> to vector<256xi32>
    %broadcast_in_dim3A_27 = vector.shape_cast %reduce_min3A_26 : vector<256xi32> to vector<256x1xi32>
    %swap3A = arith.constant 0 : index
    %swap3A_28 = arith.constant 0 : index
    %swap3A_29 = vector.load %arg4[%swap3A, %swap3A_28] : memref<256x1xi32, #tpu.memory_space<vmem>>, vector<256x1xi32>
    tpu.vector_store %arg4[%swap3A, %swap3A_28], %broadcast_in_dim3A_27 {strides = array<i32>} : memref<256x1xi32, #tpu.memory_space<vmem>>, vector<256x1xi32>,
    %iota3A_30 = tpu.iota {dimensions = array<i32: 1>} : vector<256x128xi32>
    %reduce_min3A_31 = arith.constant dense<0x7F800000> : vector<256xf32>
    %reduce_min3A_32 = vector.multi_reduction <minimumf>, %sub3A_20, %reduce_min3A_31 [1] : vector<256x128xf32> to vector<256xf32>
    %broadcast_in_dim3A_33 = vector.shape_cast %reduce_min3A_32 : vector<256xf32> to vector<256x1xf32>
    %eq3A_34 = vector.broadcast %broadcast_in_dim3A_33 : vector<256x1xf32> to vector<256x128xf32>
    %eq3A_35 = arith.cmpf oeq, %sub3A_20, %eq3A_34 : vector<256x128xf32>
    %jit3A_36 = arith.constant 128 : i32
    %broadcast_in_dim3A_37 = vector.broadcast %jit3A_36 : i32 to vector<256x128xi32>
    %select_n3A_38 = arith.select %eq3A_35, %iota3A_30, %broadcast_in_dim3A_37 : vector<256x128xi1>, vector<256x128xi32>
    %reduce_min3A_39 = arith.constant dense<2147483647> : vector<256xi32>
    %reduce_min3A_40 = vector.multi_reduction <minsi>, %select_n3A_38, %reduce_min3A_39 [1] : vector<256x128xi32> to vector<256xi32>
    %broadcast_in_dim3A_41 = vector.shape_cast %reduce_min3A_40 : vector<256xi32> to vector<256x1xi32>
    %swap3A_42 = arith.constant 0 : index
    %swap3A_43 = arith.constant 0 : index
    %swap3A_44 = vector.load %arg5[%swap3A_42, %swap3A_43] : memref<256x1xi32, #tpu.memory_space<vmem>>, vector<256x1xi32>
    tpu.vector_store %arg5[%swap3A_42, %swap3A_43], %broadcast_in_dim3A_41 {strides = array<i32>} : memref<256x1xi32, #tpu.memory_space<vmem>>, vector<256x1xi32>,
    return
  }
  func.func @transform_0(%arg0: i32) -> (i32, i32) {
    %c0_i32 = arith.constant 0 : i32
    %c0_i32_0 = arith.constant 0 : i32
    return %arg0, %c0_i32 : i32, i32
  }
  func.func @transform_1(%arg0: i32) -> (i32, i32) {
    %c0_i32 = arith.constant 0 : i32
    %c0_i32_0 = arith.constant 0 : i32
    return %arg0, %c0_i32 : i32, i32
  }
  func.func @transform_2(%arg0: i32) -> (i32, i32) {
    %c0_i32 = arith.constant 0 : i32
    %c0_i32_0 = arith.constant 0 : i32
    %c0_i32_1 = arith.constant 0 : i32
    return %c0_i32, %c0_i32_0 : i32, i32
  }
  func.func @transform_3(%arg0: i32) -> (i32, i32) {
    %c0_i32 = arith.constant 0 : i32
    %c0_i32_0 = arith.constant 0 : i32
    return %arg0, %c0_i32 : i32, i32
  }
  func.func @transform_4(%arg0: i32) -> (i32, i32) {
    %c0_i32 = arith.constant 0 : i32
    %c0_i32_0 = arith.constant 0 : i32
    return %arg0, %c0_i32 : i32, i32
  }
}

</mosaic_0001>

<sc_bundles>
// kernel: kernel.4.cloned.1.call-start
scs
__scs_entry_jumppad:
0x0: {  	(pc) =	sbr.rel $0x88, $3  }
0x1: {  	(tag) =	ssettag $0x0;
	lr =	simm.s32 $0x1  }
0x2: {  	[smem:$0x3F9C] =	sst lr;
	_ =	strace $0xD0000000  }
0x3: {  	_ = 	snop  }
0x4: {  	_ = 	snop  }
0x5: {  	_ = 	snop  }
0x6: {  	_ = 	snop  }
0x7: {  	_ = 	snop  }
__scs_overlays_trampoline_lowered:
0x8: {  	[smem:$0x3FAB] =	sst s0  }
0x9: {  	[smem:$0x3FAC] =	sst s1  }
0xa: {  	[smem:$0x3FAD] =	sst s2  }
0xb: {  	[smem:$0x3FAE] =	sst s3  }
0xc: {  	[smem:$0x3FAF] =	sst s4  }
0xd: {  	[smem:$0x3FB0] =	sst s5  }
0xe: {  	[smem:$0x3FB1] =	sst s6  }
0xf: {  	[smem:$0x3FB2] =	sst s7  }
0x10: {  	[smem:$0x3FB3] =	sst s8  }
0x11: {  	[smem:$0x3FB4] =	sst s9;
	s0 =	simm.s32 @!p0 $0x0  }
0x12: {  	s1 =	sld [smem:$0x3F9A];
	s0 =	simm.s32 @p0 $0x1  }
0x13: {  	[smem:$0x3FB5] =	sst s0;
	s0 =	simm.s32 @!p1 $0x0  }
0x14: {  	s2 =	sld [smem:$0x3F99];
	s0 =	simm.s32 @p1 $0x1  }
0x15: {  	[smem:$0x3FB6] =	sst s0;
	s0 =	simm.s32 @!p2 $0x0  }
0x16: {  	s3 =	sld [smem:$0x3FDB];
	s0 =	simm.s32 @p2 $0x1  }
0x17: {  	s4 =	simm.s32 $0x1BF5;
	[smem:$0x3FB8] =	sst s0  }
0x18: {  	s0 =	sld [smem:$0x3F9B];
	_ =	swait.ge [sflag:s4], $0x0  }
0x19: {  	s7 =	sld [smem:$0x3F9C]  }
0x1a: {  	s8 =	sadd.s32 $0xFFFFE003, lr  }
0x1b: {  	s9 =	sadd.s32 $0xFFFFFEF7, lr;
	s5 =	simm.s32 $0xFFFFFFFF;
	p2 =	slt.u32 s8, $0xFFFFF086  }
0x1c: {  	p1 =	slt.u32 s9, $0xF7A;
	s5 =	simm.s32 @!p2 $0x0  }
0x1d: {  	s5 =	simm.s32 @p1 $0x1;
	p0 =	seq.s32 s7, s2  }
0x1e: {  	s7 =	smul.u32 @!p0 $0xF7A, s2;
	p2 =	seq.s32 @!p0 s5, $0x0  }
0x1f: {  	s9 =	smul.u32 $0xF7A, s1;
	s8 =	simm.s32 @!p0 $0x1BF5;
	p2 =	por !p2, p0  }
0x20: {  	[sflag:s8] =	ssyncset.s32 @!p0 $0xFFFFF086;
	s6 =	sadd.s32 @!p0 s3, s7;
	s7 =	simm.s32 @!p0 $0x108  }
0x21: {  	s3 =	sadd.s32 s3, s9;
	s6 =	sadd.s32 @!p0 $0x88, s6;
	s7 =	simm.s32 @p2 $0x1082  }
0x22: {  	[simem:s7], [sflag:s8] =	dma.local @!p0 [hbm:s6], $0xF7A  }
0x23: {  	s9 =	sor.u32 $0xD0000000, s2;
	s6 =	simm.s32 $0x108;
	_ =	swait.ge @!p0 [sflag:s8], $0x0  }
0x24: {  	s3 =	sadd.s32 $0x88, s3;
	s6 =	simm.s32 @!p1 $0x1082;
	[sflag:s4] =	ssyncset.s32 $0xFFFFF086  }
0x25: {  	[simem:s6], [sflag:s4] =	dma.local [hbm:s3], $0xF7A  }
0x26: {  	[smem:$0x3F9C] =	sst s1;
	(tag) =	ssettag s2;
	_ =	strace s9  }
0x27: {  	s1 =	sld [smem:$0x3FAC]  }
0x28: {  	s2 =	sld [smem:$0x3FAD]  }
0x29: {  	s4 =	sld [smem:$0x3FAF]  }
0x2a: {  	p0 =	seq.s32 s5, $0x0;
	s5 =	sld [smem:$0x3FB0]  }
0x2b: {  	s6 =	sld [smem:$0x3FB1]  }
0x2c: {  	s7 =	sld [smem:$0x3FB2]  }
0x2d: {  	s3 =	simm.s32 $0x108;
	s8 =	sld [smem:$0x3FB3]  }
0x2e: {  	s3 =	simm.s32 @!p0 $0x1082;
	s9 =	sld [smem:$0x3FB4]  }
0x2f: {  	lr =	sadd.s32 s0, s3;
	s0 =	sld [smem:$0x3FAB]  }
0x30: {  	s3 =	sld [smem:$0x3FAE]  }
0x31: {  	[smem:$0x3FB7] =	sst s10  }
0x32: {  	s10 =	sld [smem:$0x3FB5];
	_ =	sdelay $0x3  }
0x33: {  	p0 =	seq.s32 s10, $0x1;
	s10 =	sld [smem:$0x3FB7];
	_ =	sdelay $0x3  }
0x34: {  	[smem:$0x3FB7] =	sst s10  }
0x35: {  	s10 =	sld [smem:$0x3FB6];
	_ =	sdelay $0x3  }
0x36: {  	p1 =	seq.s32 s10, $0x1;
	s10 =	sld [smem:$0x3FB7];
	_ =	sdelay $0x3  }
0x37: {  	[smem:$0x3FB7] =	sst s10  }
0x38: {  	s10 =	sld [smem:$0x3FB8]  }
0x39: {  	_ = 	snop;
	(pc) =	sbr.ind lr, $3  }
0x3a: {  	_ = 	snop  }
0x3b: {  	_ = 	snop  }
0x3c: {  	p2 =	seq.s32 s10, $0x1;
	s10 =	sld [smem:$0x3FB7]  }
0x3d: {  	_ =	shalt  }
0x3e: {  	_ =	shalt  }
0x3f: {  	_ =	shalt  }
0x40: {  	_ =	shalt  }
0x41: {  	_ =	shalt  }
0x42: {  	_ =	shalt  }
0x43: {  	_ =	shalt  }
0x44: {  	_ =	shalt  }
0x45: {  	_ =	shalt  }
0x46: {  	_ =	shalt  }
0x47: {  	_ =	shalt  }
0x48: {  	_ =	shalt  }
0x49: {  	_ =	shalt  }
0x4a: {  	_ =	shalt  }
0x4b: {  	_ =	shalt  }
0x4c: {  	_ =	shalt  }
0x4d: {  	_ =	shalt  }
0x4e: {  	_ =	shalt  }
0x4f: {  	_ =	shalt  }
0x50: {  	_ =	shalt  }
0x51: {  	_ =	shalt  }
0x52: {  	_ =	shalt  }
0x53: {  	_ =	shalt  }
0x54: {  	_ =	shalt  }
0x55: {  	_ =	shalt  }
0x56: {  	_ =	shalt  }
0x57: {  	_ =	shalt  }
0x58: {  	_ =	shalt  }
0x59: {  	_ =	shalt  }
0x5a: {  	_ =	shalt  }
0x5b: {  	_ =	shalt  }
0x5c: {  	_ =	shalt  }
0x5d: {  	_ =	shalt  }
0x5e: {  	_ =	shalt  }
0x5f: {  	_ =	shalt  }
0x60: {  	_ =	shalt  }
0x61: {  	_ =	shalt  }
0x62: {  	_ =	shalt  }
0x63: {  	_ =	shalt  }
0x64: {  	_ =	shalt  }
0x65: {  	_ =	shalt  }
0x66: {  	_ =	shalt  }
0x67: {  	_ =	shalt  }
0x68: {  	_ =	shalt  }
0x69: {  	_ =	shalt  }
0x6a: {  	_ =	shalt  }
0x6b: {  	_ =	shalt  }
0x6c: {  	_ =	shalt  }
0x6d: {  	_ =	shalt  }
0x6e: {  	_ =	shalt  }
0x6f: {  	_ =	shalt  }
0x70: {  	_ =	shalt  }
0x71: {  	_ =	shalt  }
0x72: {  	_ =	shalt  }
0x73: {  	_ =	shalt  }
0x74: {  	_ =	shalt  }
0x75: {  	_ =	shalt  }
0x76: {  	_ =	shalt  }
0x77: {  	_ =	shalt  }
0x78: {  	_ =	shalt  }
0x79: {  	_ =	shalt  }
0x7a: {  	_ =	shalt  }
0x7b: {  	_ =	shalt  }
0x7c: {  	_ =	shalt  }
0x7d: {  	_ =	shalt  }
0x7e: {  	_ =	shalt  }
0x7f: {  	_ =	shalt  }
0x80: {  	_ =	shalt  }
0x81: {  	_ =	shalt  }
0x82: {  	_ =	shalt  }
0x83: {  	_ =	shalt  }
0x84: {  	_ =	shalt  }
0x85: {  	_ =	shalt  }
0x86: {  	_ =	shalt  }
0x87: {  	_ =	shalt  }
.Lfunc_end0:
.L_simem_size_0:
called_computation_lowered:
.L_overlay_start_0:
0x88: {  	s2 =	sld [smem:$0x3FD9]  }
0x89: {  	s3 =	sld [smem:$0x3FFE];
	_ =	sdelay $0x1  }
0x8a: {  	s1 =	srdreg.scid  }
0x8b: {  	s0 =	sand.u32 $0x1, s1  }
0x8c: {  	s17 =	sshll.u32 s0, $0xA;
	s2 =	sadd.s32 s3, s2  }
0x8d: {  	s2 =	sadd.s32 s2, s17  }
0x8e: {  	[smem:$0x3FC3] =	sst s2  }
0x8f: {  	_ = 	snop  }
0x90: {  	s2 =	sld [smem:$0x3FC7]  }
0x91: {  	s18 =	sld [smem:$0x3FD0];
	(tm) =	ssettm $0x1  }
0x92: {  	s4 =	sld [smem:$0x3FFB];
	_ =	sdelay $0x3  }
0x93: {  	_ =	strace s4  }
0x94: {  	s4 =	sld [smem:$0x3FFC];
	_ =	sdelay $0x3  }
0x95: {  	_ =	strace s4  }
0x96: {  	s4 =	sld [smem:$0x3FFD];
	_ =	sdelay $0x3  }
0x97: {  	_ =	strace s4  }
0x98: {  	_ =	strace $0x8FFFFFFF  }
0x99: {  	s19 =	sld [smem:$0x3FDB];
	_ =	sdelay $0x1  }
0x9a: {  	s5 =	simm.s32 $_scs_section_size  }
0x9b: {  	s6 =	simm.s32 $_size__tile_overlayer_lowered;
	s7 =	simm.s32 $_tile_overlayer_lowered  }
0x9c: {  	s22 =	simm.s32 $0x1BFF;
	s21 =	sshll.u32 s7, $0x1;
	s4 =	sadd.s32 s5, s19  }
0x9d: {  	s8 =	simm.s32 $0x0;
	s20 =	sshll.u32 s6, $0x1;
	s6 =	sadd.s32 s21, s4  }
0x9e: {  	[timem:s8], [sflag:s22] =	dma.local [hbm:s6], s20  }
0x9f: {  	_ =	swait.ge [sflag:s22], s20  }
0xa0: {  	s5 =	ssub.s32 $0x0, s20;
	[sflag:s22] =	ssyncset.done $0x0  }
0xa1: {  	[sflag:s22] =	ssyncadd.s32 s5;
	_ =	sdelay $0x1  }
0xa2: {  	s23 =	simm.s32 $0x1B8B  }
0xa3: {  	_ =	swait.ge [sflag:s23], $0x1  }
0xa4: {  	[sflag:s23] =	ssyncset.done $0x0  }
0xa5: {  	s25 =	simm.s32 $0x1B8E;
	s24 =	sld [smem:$0x3FFE];
	[sflag:s23] =	ssyncadd.s32 $0xFFFFFFFF  }
0xa6: {  	s26 =	simm.s32 $execute0_lowered;
	[smem:$0x3FD2] =	sst s25  }
0xa7: {  	s6 =	sshll.u32 s26, $0x1;
	_ =	strace $0x80000046;
	[dreg:$0x1] =	wrdreg $0xFFFFFFFF  }
0xa8: {  	s28 =	simm.s32 $_size_execute0_lowered;
	s4 =	sadd.s32 s4, s6;
	[dreg:$0x0] =	wrdreg $0x0  }
0xa9: {  	s6 =	sshll.u32 s28, $0x1;
	[dreg:$0x2] =	wrdreg s4  }
0xaa: {  	[dreg:$0x3] =	wrdreg s6  }
0xab: {  	[dreg:$0x4] =	wrdreg $0xC0  }
0xac: {  	_ =	task [dreg:s8], $0x5FFFF  }
0xad: {  	[dreg:$0x1] =	wrdreg $0xFFFFFFFF  }
0xae: {  	[dreg:$0x0] =	wrdreg $0x60  }
0xaf: {  	[dreg:$0x2] =	wrdreg s24  }
0xb0: {  	[dreg:$0x3] =	wrdreg s2  }
0xb1: {  	[dreg:$0x4] =	wrdreg s18  }
0xb2: {  	[dreg:$0x5] =	wrdreg $0x9  }
0xb3: {  	_ =	task.clear_ibuf [dreg:s8], $0x6FFFF;
	_ =	strace $0x90000046  }
0xb4: {  	s29 =	simm.s32 $0x9;
	_ =	strace $0x80000048  }
0xb5: {  	_ =	swait.ge [sflag:s29], $0x1  }
0xb6: {  	[sflag:s29] =	ssyncadd.s32 $0xFFFFFFFF  }
0xb7: {  	_ =	strace $0x90000048  }
0xb8: {  	_ =	sfence  }
0xb9: {  	s30 =	sld [smem:$0x0];
	_ =	sdelay $0x2  }
0xba: {  	s31 =	sshll.u32 s1, $0xD;
	s1 =	sshrl.u32 s1, $0x2  }
0xbb: {  	s3 =	sand.u32 $0x4000, s31;
	s1 =	sadd.s32 s1, s30  }
0xbc: {  	s0 =	sor.u32 s3, s0;
	s1 =	sshll.u32 s1, $0x11  }
0xbd: {  	s0 =	sor.u32 s1, s0  }
0xbe: {  	s0 =	sadd.s32 $0x8F2B, s0  }
0xbf: {  	[sflag:s0] =	ssyncadd.remote.s32 $0x1  }
0xc0: {  	_ =	sfence.sel $0xFFFF  }
0xc1: {  	[dreg:$0x0] =	wrdreg $0xFFFFFFFF;
	(pc) =	sbr.abs _section_cstart, $3  }
0xc2: {  	[dreg:$0x1] =	wrdreg $0xFFFFFFFF  }
0xc3: {  	_ =	task.clear_ibuf [dreg:s8], $0x2FFFF;
	_ =	strace $0x9FFFFFFF  }
0xc4: {  	(tm) =	ssettm $0x7FFFFFFF  }
0xc5: {  	_ =	shalt  }
tec
execute0_lowered:
.L_overlay_start_1:
0x0: {  	(tag) =	ssettag $0x1  }
0x1: {  	s1 =	rddreg [dreg:$0x0]  }
0x2: {  	s0 =	srdreg.scid;
	s2 =	rddreg [dreg:$0x1]  }
0x3: {  	s3 =	stileid.u32;
	s10 =	rddreg [dreg:$0x2];
	s12 =	simm.s32 $0x2  }
0x4: {  	s15 =	simm.s32 $0x180;
	s13 =	simm.s32 $0x12980;
	s14 =	simm.s32 $0x13180  }
0x5: {  	s16 =	simm.s32 $0x13980;
	s17 =	simm.s32 $0x14180;
	s18 =	simm.s32 $0x14980  }
0x6: {  	s19 =	simm.s32 $0x15180;
	s20 =	simm.s32 $0x15980;
	s21 =	simm.s32 $0x16180  }
0x7: {  	s22 =	simm.s32 $0x16980;
	s23 =	simm.s32 $0x17180;
	s24 =	simm.s32 $0x17980  }
0x8: {  	s25 =	simm.s32 $0x1;
	s26 =	simm.s32 $0x0;
	s0 =	sand.u32 $0x1, s0  }
0x9: {  	s4 =	sshll.u32 s3, $0x7;
	s3 =	simm.s32 $0x0;
	s9 =	sadd.s32 $0x2100, s1  }
0xa: {  	s5 =	sshll.u32 s0, $0x6;
	[smem:$0x7FF] =	sst s3;
	s0 =	ssub.s32 $0x2, s0  }
0xb: {  	v2 =	vlaneseq.u32;
	s8 =	sor.u32 s5, s4;
	_ =	strace $0x80000047;
	s30 =	sshrl.u32 s0, $0x1  }
0xc: {  	v0 =	vand.u32 $0x7, v2;
	v1 =	vshrl.u32 v2, $0x3;
	s4 =	sadd.s32 $0x2000, s1;
	s7 =	sshrl.u32 s8, $0x3;
	s0 =	ssub.s32 s0, s30  }
0xd: {  	v63 =	vor.u32 $0x8, v2;
	v62 =	vmul.u32 $0x8, v1;
	[tilespmem:$0x1FFD0] =	vst v0;
	s31 =	sshll.u32 s8, $0x6;
	s8 =	sadd.s32 $0x100, s1;
	s6 =	sadd.s32 s7, s1  }
0xe: {  	[tilespmem:$0x1FFF0] =	vst v63;
	s7 =	sadd.s32 s2, s7;
	s10 =	sadd.s32 s10, s31;
	s11 =	smax.u32 s0, $0x1  }
0xf: {  	vm0 =	vmmov $0xffff;
	[tilespmem:$0x1FFE0] =	vst v62;
	s0 =	simm.s32 $0x12180;
	s5 =	sadd.s32 $0x7400, s6;
	s6 =	sadd.s32 $0x7600, s6  }
.LBB2_1:
0x10: {  	[tilespmem:s3], [sflag:$0x2] =	stream.linear.gather [hbm4b:s5+s3], $0x40, $0x38;
	[tilespmem:$0x18180] =	vst v63  }
0x11: {  	_ =	swait.ge [sflag:s12], $0x40  }
0x12: {  	[sflag:s12] =	ssyncset.done $0x0  }
0x13: {  	s2 =	simm.s32 $0x80;
	[sflag:s12] =	ssyncadd.s32 $0xFFFFFFC0  }
0x14: {  	[tilespmem:s2], [sflag:$0x2] =	stream.linear.gather [hbm4b:s6+s3], $0x40, $0x38;
	[tilespmem:$0x18180] =	vst v63  }
0x15: {  	_ =	swait.ge [sflag:s12], $0x40  }
0x16: {  	[sflag:s12] =	ssyncset.done $0x0  }
0x17: {  	s31 =	simm.s32 $0x100;
	[sflag:s12] =	ssyncadd.s32 $0xFFFFFFC0  }
0x18: {  	[tilespmem:s31], [sflag:$0x2] =	stream.linear.gather [hbm4b:s7+s3], $0x40, $0x38;
	[tilespmem:$0x18180] =	vst v63  }
0x19: {  	_ =	swait.ge [sflag:s12], $0x40  }
0x1a: {  	[sflag:s12] =	ssyncset.done $0x0  }
0x1b: {  	[sflag:s12] =	ssyncadd.s32 $0xFFFFFFC0  }
0x1c: {  	v3 =	vld [tilespmem:$0x0];
	_ =	sdelay $0x2  }
0x1d: {  	v0 =	vld [tilespmem:$0x1FFD0];
	_ =	sdelay $0x1  }
0x1e: {  	v1 =	vld [tilespmem:$0x1FFE0];
	v4 =	vshll.u32 v3, $0x2  }
0x1f: {  	v3 =	vand.u32 $0x7, v3;
	v4 =	vand.u32 $0xFFFFFFE0, v4  }
0x20: {  	v2 =	vld [tilespmem:$0x1FFF0];
	v3 =	vor.u32 v3, v4  }
0x21: {  	v4 =	vperm.xlane v3, v0;
	_ =	sdelay $0x1  }
0x22: {  	v4 =	vadd.s32 v1, v4;
	_ =	sdelay $0x1  }
0x23: {  	v3 =	vperm.xlane v3, v2;
	_ =	sdelay $0x1  }
0x24: {  	v3 =	vadd.s32 v1, v3  }
0x25: {  	[tilespmem:s15], [sflag:$0x1] =	stream.indirect_vreg.gather [hbm4b:s1+s3], $0x80, v4, vm0, $0xb8;
	[tilespmem:$0x18180] =	vst v63  }
0x26: {  	s31 =	simm.s32 $0x980  }
0x27: {  	[tilespmem:s31], [sflag:$0x1] =	stream.indirect_vreg.gather [hbm4b:s8+s3], $0x80, v4, vm0, $0xb8;
	[tilespmem:$0x18180] =	vst v63  }
0x28: {  	s31 =	simm.s32 $0x1180  }
0x29: {  	[tilespmem:s31], [sflag:$0x1] =	stream.indirect_vreg.gather [hbm4b:s1+s3], $0x80, v3, vm0, $0xb8;
	[tilespmem:$0x18180] =	vst v63  }
0x2a: {  	s31 =	simm.s32 $0x1980  }
0x2b: {  	[tilespmem:s31], [sflag:$0x1] =	stream.indirect_vreg.gather [hbm4b:s8+s3], $0x80, v3, vm0, $0xb8;
	[tilespmem:$0x18180] =	vst v63  }
0x2c: {  	v3 =	vld [tilespmem:$0x10];
	_ =	sdelay $0x4  }
0x2d: {  	v4 =	vshll.u32 v3, $0x2  }
0x2e: {  	v3 =	vand.u32 $0x7, v3;
	v4 =	vand.u32 $0xFFFFFFE0, v4  }
0x2f: {  	v3 =	vor.u32 v3, v4  }
0x30: {  	v4 =	vperm.xlane v3, v0;
	_ =	sdelay $0x1  }
0x31: {  	v4 =	vadd.s32 v1, v4;
	_ =	sdelay $0x1  }
0x32: {  	v3 =	vperm.xlane v3, v2;
	_ =	sdelay $0x1  }
0x33: {  	s31 =	simm.s32 $0x2180;
	v3 =	vadd.s32 v1, v3  }
0x34: {  	[tilespmem:s31], [sflag:$0x1] =	stream.indirect_vreg.gather [hbm4b:s1+s3], $0x80, v4, vm0, $0xb8;
	[tilespmem:$0x18180] =	vst v63  }
0x35: {  	s31 =	simm.s32 $0x2980  }
0x36: {  	[tilespmem:s31], [sflag:$0x1] =	stream.indirect_vreg.gather [hbm4b:s8+s3], $0x80, v4, vm0, $0xb8;
	[tilespmem:$0x18180] =	vst v63  }
0x37: {  	s31 =	simm.s32 $0x3180  }
0x38: {  	[tilespmem:s31], [sflag:$0x1] =	stream.indirect_vreg.gather [hbm4b:s1+s3], $0x80, v3, vm0, $0xb8;
	[tilespmem:$0x18180] =	vst v63  }
0x39: {  	s31 =	simm.s32 $0x3980  }
0x3a: {  	[tilespmem:s31], [sflag:$0x1] =	stream.indirect_vreg.gather [hbm4b:s8+s3], $0x80, v3, vm0, $0xb8;
	[tilespmem:$0x18180] =	vst v63  }
0x3b: {  	v3 =	vld [tilespmem:$0x20];
	_ =	sdelay $0x4  }
0x3c: {  	v4 =	vshll.u32 v3, $0x2  }
0x3d: {  	v3 =	vand.u32 $0x7, v3;
	v4 =	vand.u32 $0xFFFFFFE0, v4  }
0x3e: {  	v3 =	vor.u32 v3, v4  }
0x3f: {  	v4 =	vperm.xlane v3, v0;
	_ =	sdelay $0x1  }
0x40: {  	v4 =	vadd.s32 v1, v4;
	_ =	sdelay $0x1  }
0x41: {  	v3 =	vperm.xlane v3, v2;
	_ =	sdelay $0x1  }
0x42: {  	s31 =	simm.s32 $0x4180;
	v3 =	vadd.s32 v1, v3  }
0x43: {  	[tilespmem:s31], [sflag:$0x1] =	stream.indirect_vreg.gather [hbm4b:s1+s3], $0x80, v4, vm0, $0xb8;
	[tilespmem:$0x18180] =	vst v63  }
0x44: {  	s31 =	simm.s32 $0x4980  }
0x45: {  	[tilespmem:s31], [sflag:$0x1] =	stream.indirect_vreg.gather [hbm4b:s8+s3], $0x80, v4, vm0, $0xb8;
	[tilespmem:$0x18180] =	vst v63  }
0x46: {  	s31 =	simm.s32 $0x5180  }
0x47: {  	[tilespmem:s31], [sflag:$0x1] =	stream.indirect_vreg.gather [hbm4b:s1+s3], $0x80, v3, vm0, $0xb8;
	[tilespmem:$0x18180] =	vst v63  }
0x48: {  	s31 =	simm.s32 $0x5980  }
0x49: {  	[tilespmem:s31], [sflag:$0x1] =	stream.indirect_vreg.gather [hbm4b:s8+s3], $0x80, v3, vm0, $0xb8;
	[tilespmem:$0x18180] =	vst v63  }
0x4a: {  	v3 =	vld [tilespmem:$0x30];
	_ =	sdelay $0x4  }
0x4b: {  	v4 =	vshll.u32 v3, $0x2  }
0x4c: {  	v3 =	vand.u32 $0x7, v3;
	v4 =	vand.u32 $0xFFFFFFE0, v4  }
0x4d: {  	v3 =	vor.u32 v3, v4  }
0x4e: {  	v4 =	vperm.xlane v3, v0;
	_ =	sdelay $0x1  }
0x4f: {  	v4 =	vadd.s32 v1, v4;
	_ =	sdelay $0x1  }
0x50: {  	v3 =	vperm.xlane v3, v2;
	_ =	sdelay $0x1  }
0x51: {  	s31 =	simm.s32 $0x6180;
	v3 =	vadd.s32 v1, v3  }
0x52: {  	[tilespmem:s31], [sflag:$0x1] =	stream.indirect_vreg.gather [hbm4b:s1+s3], $0x80, v4, vm0, $0xb8;
	[tilespmem:$0x18180] =	vst v63  }
0x53: {  	s31 =	simm.s32 $0x6980  }
0x54: {  	[tilespmem:s31], [sflag:$0x1] =	stream.indirect_vreg.gather [hbm4b:s8+s3], $0x80, v4, vm0, $0xb8;
	[tilespmem:$0x18180] =	vst v63  }
0x55: {  	s31 =	simm.s32 $0x7180  }
0x56: {  	[tilespmem:s31], [sflag:$0x1] =	stream.indirect_vreg.gather [hbm4b:s1+s3], $0x80, v3, vm0, $0xb8;
	[tilespmem:$0x18180] =	vst v63  }
0x57: {  	s31 =	simm.s32 $0x7980  }
0x58: {  	[tilespmem:s31], [sflag:$0x1] =	stream.indirect_vreg.gather [hbm4b:s8+s3], $0x80, v3, vm0, $0xb8;
	[tilespmem:$0x18180] =	vst v63  }
0x59: {  	v3 =	vld [tilespmem:$0x80];
	_ =	sdelay $0x4  }
0x5a: {  	v4 =	vshll.u32 v3, $0x2  }
0x5b: {  	v3 =	vand.u32 $0x7, v3;
	v4 =	vand.u32 $0xFFFFFFE0, v4  }
0x5c: {  	v3 =	vor.u32 v3, v4  }
0x5d: {  	v4 =	vperm.xlane v3, v0;
	_ =	sdelay $0x1  }
0x5e: {  	v4 =	vadd.s32 v1, v4;
	_ =	sdelay $0x1  }
0x5f: {  	v3 =	vperm.xlane v3, v2;
	_ =	sdelay $0x1  }
0x60: {  	s31 =	simm.s32 $0x8180;
	v3 =	vadd.s32 v1, v3  }
0x61: {  	[tilespmem:s31], [sflag:$0x1] =	stream.indirect_vreg.gather [hbm4b:s1+s3], $0x80, v4, vm0, $0xb8;
	[tilespmem:$0x18180] =	vst v63  }
0x62: {  	s31 =	simm.s32 $0x8980  }
0x63: {  	[tilespmem:s31], [sflag:$0x1] =	stream.indirect_vreg.gather [hbm4b:s8+s3], $0x80, v4, vm0, $0xb8;
	[tilespmem:$0x18180] =	vst v63  }
0x64: {  	s31 =	simm.s32 $0x9180  }
0x65: {  	[tilespmem:s31], [sflag:$0x1] =	stream.indirect_vreg.gather [hbm4b:s1+s3], $0x80, v3, vm0, $0xb8;
	[tilespmem:$0x18180] =	vst v63  }
0x66: {  	s31 =	simm.s32 $0x9980  }
0x67: {  	[tilespmem:s31], [sflag:$0x1] =	stream.indirect_vreg.gather [hbm4b:s8+s3], $0x80, v3, vm0, $0xb8;
	[tilespmem:$0x18180] =	vst v63  }
0x68: {  	v3 =	vld [tilespmem:$0x90];
	_ =	sdelay $0x4  }
0x69: {  	v4 =	vshll.u32 v3, $0x2  }
0x6a: {  	v3 =	vand.u32 $0x7, v3;
	v4 =	vand.u32 $0xFFFFFFE0, v4  }
0x6b: {  	v3 =	vor.u32 v3, v4  }
0x6c: {  	v4 =	vperm.xlane v3, v0;
	_ =	sdelay $0x1  }
0x6d: {  	v4 =	vadd.s32 v1, v4;
	_ =	sdelay $0x1  }
0x6e: {  	v3 =	vperm.xlane v3, v2;
	_ =	sdelay $0x1  }
0x6f: {  	s31 =	simm.s32 $0xA180;
	v3 =	vadd.s32 v1, v3  }
0x70: {  	[tilespmem:s31], [sflag:$0x1] =	stream.indirect_vreg.gather [hbm4b:s1+s3], $0x80, v4, vm0, $0xb8;
	[tilespmem:$0x18180] =	vst v63  }
0x71: {  	s31 =	simm.s32 $0xA980  }
0x72: {  	[tilespmem:s31], [sflag:$0x1] =	stream.indirect_vreg.gather [hbm4b:s8+s3], $0x80, v4, vm0, $0xb8;
	[tilespmem:$0x18180] =	vst v63  }
0x73: {  	s31 =	simm.s32 $0xB180  }
0x74: {  	[tilespmem:s31], [sflag:$0x1] =	stream.indirect_vreg.gather [hbm4b:s1+s3], $0x80, v3, vm0, $0xb8;
	[tilespmem:$0x18180] =	vst v63  }
0x75: {  	s31 =	simm.s32 $0xB980  }
0x76: {  	[tilespmem:s31], [sflag:$0x1] =	stream.indirect_vreg.gather [hbm4b:s8+s3], $0x80, v3, vm0, $0xb8;
	[tilespmem:$0x18180] =	vst v63  }
0x77: {  	v3 =	vld [tilespmem:$0xA0];
	_ =	sdelay $0x4  }
0x78: {  	v4 =	vshll.u32 v3, $0x2  }
0x79: {  	v3 =	vand.u32 $0x7, v3;
	v4 =	vand.u32 $0xFFFFFFE0, v4  }
0x7a: {  	v3 =	vor.u32 v3, v4  }
0x7b: {  	v4 =	vperm.xlane v3, v0;
	_ =	sdelay $0x1  }
0x7c: {  	v4 =	vadd.s32 v1, v4;
	_ =	sdelay $0x1  }
0x7d: {  	v3 =	vperm.xlane v3, v2;
	_ =	sdelay $0x1  }
0x7e: {  	s31 =	simm.s32 $0xC180;
	v3 =	vadd.s32 v1, v3  }
0x7f: {  	[tilespmem:s31], [sflag:$0x1] =	stream.indirect_vreg.gather [hbm4b:s1+s3], $0x80, v4, vm0, $0xb8;
	[tilespmem:$0x18180] =	vst v63  }
0x80: {  	s31 =	simm.s32 $0xC980  }
0x81: {  	[tilespmem:s31], [sflag:$0x1] =	stream.indirect_vreg.gather [hbm4b:s8+s3], $0x80, v4, vm0, $0xb8;
	[tilespmem:$0x18180] =	vst v63  }
0x82: {  	s31 =	simm.s32 $0xD180  }
0x83: {  	[tilespmem:s31], [sflag:$0x1] =	stream.indirect_vreg.gather [hbm4b:s1+s3], $0x80, v3, vm0, $0xb8;
	[tilespmem:$0x18180] =	vst v63  }
0x84: {  	s31 =	simm.s32 $0xD980  }
0x85: {  	[tilespmem:s31], [sflag:$0x1] =	stream.indirect_vreg.gather [hbm4b:s8+s3], $0x80, v3, vm0, $0xb8;
	[tilespmem:$0x18180] =	vst v63  }
0x86: {  	v3 =	vld [tilespmem:$0xB0];
	_ =	sdelay $0x4  }
0x87: {  	v4 =	vshll.u32 v3, $0x2  }
0x88: {  	v3 =	vand.u32 $0x7, v3;
	v4 =	vand.u32 $0xFFFFFFE0, v4  }
0x89: {  	v3 =	vor.u32 v3, v4  }
0x8a: {  	v4 =	vperm.xlane v3, v0;
	_ =	sdelay $0x1  }
0x8b: {  	v4 =	vadd.s32 v1, v4;
	_ =	sdelay $0x1  }
0x8c: {  	v3 =	vperm.xlane v3, v2;
	_ =	sdelay $0x1  }
0x8d: {  	s31 =	simm.s32 $0xE180;
	v3 =	vadd.s32 v1, v3  }
0x8e: {  	[tilespmem:s31], [sflag:$0x1] =	stream.indirect_vreg.gather [hbm4b:s1+s3], $0x80, v4, vm0, $0xb8;
	[tilespmem:$0x18180] =	vst v63  }
0x8f: {  	s31 =	simm.s32 $0xE980  }
0x90: {  	[tilespmem:s31], [sflag:$0x1] =	stream.indirect_vreg.gather [hbm4b:s8+s3], $0x80, v4, vm0, $0xb8;
	[tilespmem:$0x18180] =	vst v63  }
0x91: {  	s31 =	simm.s32 $0xF180  }
0x92: {  	[tilespmem:s31], [sflag:$0x1] =	stream.indirect_vreg.gather [hbm4b:s1+s3], $0x80, v3, vm0, $0xb8;
	[tilespmem:$0x18180] =	vst v63  }
0x93: {  	s31 =	simm.s32 $0xF980  }
0x94: {  	[tilespmem:s31], [sflag:$0x1] =	stream.indirect_vreg.gather [hbm4b:s8+s3], $0x80, v3, vm0, $0xb8;
	[tilespmem:$0x18180] =	vst v63  }
0x95: {  	v3 =	vld [tilespmem:$0x100];
	_ =	sdelay $0x4  }
0x96: {  	v4 =	vshll.u32 v3, $0x2  }
0x97: {  	v3 =	vand.u32 $0x7, v3;
	v4 =	vand.u32 $0xFFFFFFE0, v4  }
0x98: {  	v3 =	vor.u32 v3, v4  }
0x99: {  	v4 =	vperm.xlane v3, v0;
	_ =	sdelay $0x1  }
0x9a: {  	v4 =	vadd.s32 v1, v4;
	_ =	sdelay $0x1  }
0x9b: {  	v3 =	vperm.xlane v3, v2;
	_ =	sdelay $0x1  }
0x9c: {  	s31 =	simm.s32 $0x10180;
	v3 =	vadd.s32 v1, v3  }
0x9d: {  	[tilespmem:s31], [sflag:$0x1] =	stream.indirect_vreg.gather [hbm4b:s4+s3], $0x80, v4, vm0, $0xb8;
	[tilespmem:$0x18180] =	vst v63  }
0x9e: {  	s31 =	simm.s32 $0x10980  }
0x9f: {  	[tilespmem:s31], [sflag:$0x1] =	stream.indirect_vreg.gather [hbm4b:s9+s3], $0x80, v4, vm0, $0xb8;
	[tilespmem:$0x18180] =	vst v63  }
0xa0: {  	s31 =	simm.s32 $0x11180  }
0xa1: {  	[tilespmem:s31], [sflag:$0x1] =	stream.indirect_vreg.gather [hbm4b:s4+s3], $0x80, v3, vm0, $0xb8;
	[tilespmem:$0x18180] =	vst v63  }
0xa2: {  	s31 =	simm.s32 $0x11980  }
0xa3: {  	[tilespmem:s31], [sflag:$0x1] =	stream.indirect_vreg.gather [hbm4b:s9+s3], $0x80, v3, vm0, $0xb8;
	[tilespmem:$0x18180] =	vst v63  }
0xa4: {  	v3 =	vld [tilespmem:$0x110];
	_ =	sdelay $0x4  }
0xa5: {  	v4 =	vshll.u32 v3, $0x2  }
0xa6: {  	v3 =	vand.u32 $0x7, v3;
	v4 =	vand.u32 $0xFFFFFFE0, v4  }
0xa7: {  	v3 =	vor.u32 v3, v4  }
0xa8: {  	v4 =	vperm.xlane v3, v0;
	_ =	sdelay $0x1  }
0xa9: {  	v4 =	vadd.s32 v1, v4;
	_ =	sdelay $0x1  }
0xaa: {  	v3 =	vperm.xlane v3, v2;
	_ =	sdelay $0x1  }
0xab: {  	v3 =	vadd.s32 v1, v3  }
0xac: {  	[tilespmem:s0], [sflag:$0x1] =	stream.indirect_vreg.gather [hbm4b:s4+s3], $0x80, v4, vm0, $0xb8;
	[tilespmem:$0x18180] =	vst v63  }
0xad: {  	_ = 	snop  }
0xae: {  	[tilespmem:s13], [sflag:$0x1] =	stream.indirect_vreg.gather [hbm4b:s9+s3], $0x80, v4, vm0, $0xb8;
	[tilespmem:$0x18180] =	vst v63  }
0xaf: {  	_ = 	snop  }
0xb0: {  	[tilespmem:s14], [sflag:$0x1] =	stream.indirect_vreg.gather [hbm4b:s4+s3], $0x80, v3, vm0, $0xb8;
	[tilespmem:$0x18180] =	vst v63  }
0xb1: {  	_ = 	snop  }
0xb2: {  	[tilespmem:s16], [sflag:$0x1] =	stream.indirect_vreg.gather [hbm4b:s9+s3], $0x80, v3, vm0, $0xb8;
	[tilespmem:$0x18180] =	vst v63  }
0xb3: {  	v3 =	vld [tilespmem:$0x120];
	_ =	sdelay $0x4  }
0xb4: {  	v4 =	vshll.u32 v3, $0x2  }
0xb5: {  	v3 =	vand.u32 $0x7, v3;
	v4 =	vand.u32 $0xFFFFFFE0, v4  }
0xb6: {  	v3 =	vor.u32 v3, v4  }
0xb7: {  	v4 =	vperm.xlane v3, v0;
	_ =	sdelay $0x1  }
0xb8: {  	v4 =	vadd.s32 v1, v4;
	_ =	sdelay $0x1  }
0xb9: {  	v3 =	vperm.xlane v3, v2;
	_ =	sdelay $0x1  }
0xba: {  	v3 =	vadd.s32 v1, v3  }
0xbb: {  	[tilespmem:s17], [sflag:$0x1] =	stream.indirect_vreg.gather [hbm4b:s4+s3], $0x80, v4, vm0, $0xb8;
	[tilespmem:$0x18180] =	vst v63  }
0xbc: {  	_ = 	snop  }
0xbd: {  	[tilespmem:s18], [sflag:$0x1] =	stream.indirect_vreg.gather [hbm4b:s9+s3], $0x80, v4, vm0, $0xb8;
	[tilespmem:$0x18180] =	vst v63  }
0xbe: {  	_ = 	snop  }
0xbf: {  	[tilespmem:s19], [sflag:$0x1] =	stream.indirect_vreg.gather [hbm4b:s4+s3], $0x80, v3, vm0, $0xb8;
	[tilespmem:$0x18180] =	vst v63  }
0xc0: {  	_ = 	snop  }
0xc1: {  	[tilespmem:s20], [sflag:$0x1] =	stream.indirect_vreg.gather [hbm4b:s9+s3], $0x80, v3, vm0, $0xb8;
	[tilespmem:$0x18180] =	vst v63  }
0xc2: {  	v3 =	vld [tilespmem:$0x130];
	_ =	sdelay $0x4  }
0xc3: {  	v4 =	vshll.u32 v3, $0x2  }
0xc4: {  	v3 =	vand.u32 $0x7, v3;
	v4 =	vand.u32 $0xFFFFFFE0, v4  }
0xc5: {  	v3 =	vor.u32 v3, v4  }
0xc6: {  	v4 =	vperm.xlane v3, v0;
	_ =	sdelay $0x1  }
0xc7: {  	v4 =	vadd.s32 v1, v4;
	_ =	sdelay $0x1  }
0xc8: {  	v3 =	vperm.xlane v3, v2;
	_ =	sdelay $0x1  }
0xc9: {  	v3 =	vadd.s32 v1, v3  }
0xca: {  	[tilespmem:s21], [sflag:$0x1] =	stream.indirect_vreg.gather [hbm4b:s4+s3], $0x80, v4, vm0, $0xb8;
	[tilespmem:$0x18180] =	vst v63  }
0xcb: {  	_ = 	snop  }
0xcc: {  	[tilespmem:s22], [sflag:$0x1] =	stream.indirect_vreg.gather [hbm4b:s9+s3], $0x80, v4, vm0, $0xb8;
	[tilespmem:$0x18180] =	vst v63  }
0xcd: {  	_ = 	snop  }
0xce: {  	[tilespmem:s23], [sflag:$0x1] =	stream.indirect_vreg.gather [hbm4b:s4+s3], $0x80, v3, vm0, $0xb8;
	[tilespmem:$0x18180] =	vst v63  }
0xcf: {  	_ = 	snop  }
0xd0: {  	[tilespmem:s24], [sflag:$0x1] =	stream.indirect_vreg.gather [hbm4b:s9+s3], $0x80, v3, vm0, $0xb8;
	[tilespmem:$0x18180] =	vst v63  }
0xd1: {  	_ =	swait.ge [sflag:s25], $0x8000  }
0xd2: {  	[sflag:s25] =	ssyncset.done $0x0  }
0xd3: {  	[sflag:s25] =	ssyncadd.s32 $0xFFFF8000  }
0xd4: {  	_ =	swait.ge [sflag:s25], $0x8000  }
0xd5: {  	[sflag:s25] =	ssyncset.done $0x0  }
0xd6: {  	[sflag:s25] =	ssyncadd.s32 $0xFFFF8000  }
0xd7: {  	_ =	swait.ge [sflag:s25], $0x8000  }
0xd8: {  	s28 =	sand.u32 $0x7000, s3;
	s29 =	sand.u32 $0x380, s3;
	[sflag:s25] =	ssyncset.done $0x0  }
0xd9: {  	s28 =	sor.u32 s29, s28;
	[sflag:s25] =	ssyncadd.s32 $0xFFFF8000  }
0xda: {  	v20 =	vld [tilespmem:s28+$0x10180]  }
0xdb: {  	v21 =	vld [tilespmem:s28+$0x10190]  }
0xdc: {  	v22 =	vld [tilespmem:s28+$0x101A0]  }
0xdd: {  	v23 =	vld [tilespmem:s28+$0x101B0]  }
0xde: {  	v24 =	vld [tilespmem:s28+$0x101C0]  }
0xdf: {  	v25 =	vld [tilespmem:s28+$0x101D0]  }
0xe0: {  	v26 =	vld [tilespmem:s28+$0x101E0]  }
0xe1: {  	v27 =	vld [tilespmem:s28+$0x101F0]  }
0xe2: {  	v28 =	vld [tilespmem:s28+$0x10580]  }
0xe3: {  	v29 =	vld [tilespmem:s28+$0x10590]  }
0xe4: {  	v30 =	vld [tilespmem:s28+$0x105A0]  }
0xe5: {  	v19 =	vld [tilespmem:s28+$0x105B0]  }
0xe6: {  	v33 =	vld [tilespmem:s28+$0x105C0]  }
0xe7: {  	v34 =	vld [tilespmem:s28+$0x105D0]  }
0xe8: {  	v35 =	vld [tilespmem:s28+$0x105E0]  }
0xe9: {  	v36 =	vld [tilespmem:s28+$0x105F0]  }
0xea: {  	v37 =	vld [tilespmem:s28+$0x10980]  }
0xeb: {  	v38 =	vld [tilespmem:s28+$0x10990]  }
0xec: {  	v39 =	vld [tilespmem:s28+$0x109A0]  }
0xed: {  	v5 =	vld [tilespmem:s28+$0x109B0]  }
0xee: {  	v4 =	vld [tilespmem:s28+$0x109C0]  }
0xef: {  	v3 =	vld [tilespmem:s28+$0x109D0]  }
0xf0: {  	v1 =	vld [tilespmem:s28+$0x109E0]  }
0xf1: {  	v9 =	vld [tilespmem:s28+$0x109F0]  }
0xf2: {  	v8 =	vld [tilespmem:s28+$0x10D80]  }
0xf3: {  	v7 =	vld [tilespmem:s28+$0x10D90]  }
0xf4: {  	v6 =	vld [tilespmem:s28+$0x10DA0]  }
0xf5: {  	v58 =	vld [tilespmem:s28+$0x10DB0]  }
0xf6: {  	v59 =	vld [tilespmem:s28+$0x10DC0]  }
0xf7: {  	v60 =	vld [tilespmem:s28+$0x10DD0]  }
0xf8: {  	v40 =	vld [tilespmem:s28+$0x8180]  }
0xf9: {  	v41 =	vld [tilespmem:s28+$0x8190]  }
0xfa: {  	v42 =	vld [tilespmem:s28+$0x81A0]  }
0xfb: {  	v43 =	vld [tilespmem:s28+$0x81B0]  }
0xfc: {  	v44 =	vld [tilespmem:s28+$0x81C0]  }
0xfd: {  	v45 =	vld [tilespmem:s28+$0x81D0]  }
0xfe: {  	v46 =	vld [tilespmem:s28+$0x81E0]  }
0xff: {  	v47 =	vld [tilespmem:s28+$0x81F0]  }
0x100: {  	v48 =	vld [tilespmem:s28+$0x8580]  }
0x101: {  	v49 =	vld [tilespmem:s28+$0x8590]  }
0x102: {  	v50 =	vld [tilespmem:s28+$0x85A0]  }
0x103: {  	v51 =	vld [tilespmem:s28+$0x85B0]  }
0x104: {  	v52 =	vld [tilespmem:s28+$0x85C0]  }
0x105: {  	v53 =	vld [tilespmem:s28+$0x85D0]  }
0x106: {  	v54 =	vld [tilespmem:s28+$0x85E0]  }
0x107: {  	v55 =	vld [tilespmem:s28+$0x85F0]  }
0x108: {  	v56 =	vld [tilespmem:s28+$0x8980]  }
0x109: {  	v57 =	vld [tilespmem:s28+$0x8990]  }
0x10a: {  	v17 =	vld [tilespmem:s28+$0x89D0]  }
0x10b: {  	v18 =	vld [tilespmem:s28+$0x89E0]  }
0x10c: {  	v31 =	vld [tilespmem:s28+$0x89F0]  }
0x10d: {  	v32 =	vld [tilespmem:s28+$0x8D80]  }
0x10e: {  	v16 =	vld [tilespmem:s28+$0x8D90]  }
0x10f: {  	v15 =	vld [tilespmem:s28+$0x8DA0]  }
0x110: {  	v14 =	vld [tilespmem:s28+$0x8DB0]  }
0x111: {  	v13 =	vld [tilespmem:s28+$0x8DC0]  }
0x112: {  	v12 =	vld [tilespmem:s28+$0x8DD0]  }
0x113: {  	v11 =	vld [tilespmem:s28+$0x8DE0]  }
0x114: {  	v0 =	vld [tilespmem:s28+$0x180]  }
0x115: {  	v63 =	vld [tilespmem:s28+$0x190]  }
0x116: {  	v62 =	vld [tilespmem:s28+$0x1A0]  }
0x117: {  	v61 =	vld [tilespmem:s28+$0x1B0]  }
0x118: {  	v2 =	vld [tilespmem:s28+$0x1C0]  }
0x119: {  	[tilespmem:$0x1FFA0] =	vst v58;
	v58 =	vld [tilespmem:s28+$0x89A0]  }
0x11a: {  	[tilespmem:$0x1FFB0] =	vst v59;
	v59 =	vld [tilespmem:s28+$0x89B0]  }
0x11b: {  	[tilespmem:$0x1FFC0] =	vst v60;
	v60 =	vld [tilespmem:s28+$0x89C0]  }
0x11c: {  	v0 =	vadd.f32 v40, v0;
	v40 =	vld [tilespmem:s28+$0x1D0]  }
0x11d: {  	v41 =	vadd.f32 v41, v63;
	v63 =	vld [tilespmem:s28+$0x1E0]  }
0x11e: {  	v0 =	vadd.f32 v20, v0;
	v20 =	vadd.f32 v42, v62;
	v42 =	vld [tilespmem:s28+$0x1F0]  }
0x11f: {  	v21 =	vadd.f32 v21, v41;
	v41 =	vadd.f32 v43, v61;
	v61 =	vld [tilespmem:s28+$0x580]  }
0x120: {  	v2 =	vadd.f32 v44, v2;
	v62 =	vadd.f32 v22, v20;
	v20 =	vld [tilespmem:s28+$0x590]  }
0x121: {  	[tilespmem:s28+$0x190] =	vst v21;
	v21 =	vadd.f32 v23, v41;
	v23 =	vld [tilespmem:s28+$0x5A0];
	v22 =	vadd.f32 v45, v40  }
0x122: {  	[tilespmem:s28+$0x180] =	vst v0;
	v45 =	vadd.f32 v24, v2;
	v46 =	vadd.f32 v46, v63;
	v24 =	vld [tilespmem:s28+$0x5B0]  }
0x123: {  	[tilespmem:s28+$0x1B0] =	vst v21;
	v21 =	vadd.f32 v25, v22;
	v22 =	vadd.f32 v47, v42;
	v25 =	vld [tilespmem:s28+$0x5C0]  }
0x124: {  	[tilespmem:s28+$0x1A0] =	vst v62;
	v47 =	vadd.f32 v26, v46;
	v26 =	vld [tilespmem:s28+$0x5D0]  }
0x125: {  	v48 =	vadd.f32 v48, v61;
	[tilespmem:s28+$0x1D0] =	vst v21;
	v21 =	vadd.f32 v27, v22;
	v22 =	vld [tilespmem:s28+$0x5E0]  }
0x126: {  	[tilespmem:s28+$0x1C0] =	vst v45;
	v20 =	vadd.f32 v49, v20;
	v50 =	vadd.f32 v50, v23;
	v23 =	vld [tilespmem:s28+$0x5F0]  }
0x127: {  	[tilespmem:s28+$0x1E0] =	vst v47;
	v49 =	vadd.f32 v28, v48;
	v27 =	vld [tilespmem:s28+$0xD80]  }
0x128: {  	[tilespmem:s28+$0x1F0] =	vst v21;
	v20 =	vadd.f32 v29, v20;
	v21 =	vadd.f32 v51, v24;
	v24 =	vld [tilespmem:s28+$0x980]  }
0x129: {  	[tilespmem:s28+$0x580] =	vst v49;
	v51 =	vadd.f32 v30, v50;
	v52 =	vadd.f32 v52, v25;
	v25 =	vld [tilespmem:s28+$0x990]  }
0x12a: {  	[tilespmem:s28+$0x590] =	vst v20;
	v19 =	vadd.f32 v19, v21;
	v20 =	vadd.f32 v53, v26;
	v21 =	vld [tilespmem:s28+$0x9A0]  }
0x12b: {  	[tilespmem:s28+$0x5A0] =	vst v51;
	v53 =	vadd.f32 v33, v52;
	v54 =	vadd.f32 v54, v22;
	v22 =	vld [tilespmem:s28+$0x9B0]  }
0x12c: {  	[tilespmem:s28+$0x5B0] =	vst v19;
	v19 =	vadd.f32 v34, v20;
	v20 =	vadd.f32 v55, v23;
	v23 =	vld [tilespmem:s28+$0x9C0]  }
0x12d: {  	[tilespmem:s28+$0x5C0] =	vst v53;
	v55 =	vadd.f32 v35, v54;
	v56 =	vadd.f32 v56, v24;
	v24 =	vld [tilespmem:s28+$0x9D0]  }
0x12e: {  	[tilespmem:s28+$0x5D0] =	vst v19;
	v19 =	vadd.f32 v36, v20;
	v20 =	vadd.f32 v57, v25;
	v25 =	vld [tilespmem:s28+$0x9E0]  }
0x12f: {  	v26 =	vld [tilespmem:s28+$0x9F0];
	[tilespmem:s28+$0x5E0] =	vst v55;
	v57 =	vadd.f32 v37, v56;
	v58 =	vadd.f32 v58, v21  }
0x130: {  	v10 =	vld [tilespmem:s28+$0x8DF0];
	[tilespmem:s28+$0x5F0] =	vst v19;
	v19 =	vadd.f32 v38, v20;
	v20 =	vadd.f32 v59, v22  }
0x131: {  	v21 =	vld [tilespmem:s28+$0xD90];
	[tilespmem:s28+$0x980] =	vst v57;
	v59 =	vadd.f32 v39, v58;
	v61 =	vadd.f32 v60, v23  }
0x132: {  	[tilespmem:s28+$0x990] =	vst v19;
	v22 =	vadd.f32 v5, v20;
	v17 =	vadd.f32 v17, v24;
	v20 =	vld [tilespmem:s28+$0xDA0]  }
0x133: {  	v19 =	vld [tilespmem:s28+$0xDB0];
	[tilespmem:s28+$0x9A0] =	vst v59;
	v62 =	vadd.f32 v4, v61;
	v63 =	vadd.f32 v18, v25  }
0x134: {  	v23 =	vadd.f32 v31, v26;
	v24 =	vadd.f32 v32, v27;
	v18 =	vld [tilespmem:s28+$0xDC0];
	[tilespmem:s28+$0x9B0] =	vst v22  }
0x135: {  	s30 =	simm.s32 $0x0;
	s29 =	simm.s32 $0x200;
	v22 =	vadd.f32 v3, v17;
	v17 =	vld [tilespmem:s28+$0xDD0];
	[tilespmem:s28+$0x9C0] =	vst v62;
	v25 =	vadd.f32 v1, v63  }
.LBB2_2:
0x136: {  	v31 =	vld [tilespmem:$0x1FFA0]  }
0x137: {  	v1 =	vld [tilespmem:$0x1FFB0]  }
0x138: {  	v33 =	vld [tilespmem:$0x1FFC0]  }
0x139: {  	[tilespmem:s28+$0x9D0] =	vst v22;
	v0 =	vadd.f32 v9, v23;
	v2 =	vadd.f32 v16, v21;
	v9 =	vld [tilespmem:s28+$0xDE0]  }
0x13a: {  	s30 =	sadd.s32 $0x80, s30;
	[tilespmem:s28+$0x9E0] =	vst v25;
	v8 =	vadd.f32 v8, v24;
	v15 =	vadd.f32 v15, v20;
	v16 =	vld [tilespmem:s28+$0xDF0]  }
0x13b: {  	s31 =	sand.u32 $0x7000, s29;
	s2 =	sand.u32 $0x380, s30;
	v30 =	vadd.f32 v14, v19;
	[tilespmem:s28+$0x9F0] =	vst v0;
	v29 =	vadd.f32 v7, v2;
	v7 =	vld [tilespmem:s28+$0x10DE0]  }
0x13c: {  	s2 =	sor.u32 s2, s31;
	[tilespmem:s28+$0xD80] =	vst v8;
	v6 =	vadd.f32 v6, v15;
	v8 =	vadd.f32 v13, v18;
	v13 =	vld [tilespmem:s28+$0x10DF0]  }
0x13d: {  	v32 =	vadd.f32 v12, v17;
	v0 =	vadd.f32 v31, v30;
	v35 =	vld [tilespmem:s2+$0x10180];
	[tilespmem:s28+$0xD90] =	vst v29  }
0x13e: {  	v4 =	vadd.f32 v1, v8;
	v37 =	vld [tilespmem:s2+$0x10190];
	[tilespmem:s28+$0xDA0] =	vst v6;
	v5 =	vadd.f32 v11, v9  }
0x13f: {  	v34 =	vadd.f32 v10, v16;
	v38 =	vld [tilespmem:s2+$0x101A0];
	[tilespmem:s28+$0xDB0] =	vst v0;
	v0 =	vadd.f32 v33, v32  }
0x140: {  	v39 =	vld [tilespmem:s2+$0x101B0];
	[tilespmem:s28+$0xDC0] =	vst v4;
	v3 =	vadd.f32 v7, v5  }
0x141: {  	v42 =	vadd.f32 v13, v34;
	v36 =	vld [tilespmem:s2+$0x101C0];
	[tilespmem:s28+$0xDD0] =	vst v0  }
0x142: {  	v34 =	vld [tilespmem:s2+$0x101D0];
	[tilespmem:s28+$0xDE0] =	vst v3  }
0x143: {  	v33 =	vld [tilespmem:s2+$0x101E0];
	[tilespmem:s28+$0xDF0] =	vst v42;
	s28 =	smov.u32 s2  }
0x144: {  	v32 =	vld [tilespmem:s28+$0x101F0]  }
0x145: {  	v31 =	vld [tilespmem:s28+$0x10580]  }
0x146: {  	v30 =	vld [tilespmem:s28+$0x10590]  }
0x147: {  	v29 =	vld [tilespmem:s28+$0x105A0]  }
0x148: {  	v28 =	vld [tilespmem:s28+$0x105B0]  }
0x149: {  	v27 =	vld [tilespmem:s28+$0x105C0]  }
0x14a: {  	v26 =	vld [tilespmem:s28+$0x105D0]  }
0x14b: {  	v25 =	vld [tilespmem:s28+$0x105E0]  }
0x14c: {  	v24 =	vld [tilespmem:s28+$0x105F0]  }
0x14d: {  	v23 =	vld [tilespmem:s28+$0x10980]  }
0x14e: {  	v22 =	vld [tilespmem:s28+$0x10990]  }
0x14f: {  	v21 =	vld [tilespmem:s28+$0x109A0]  }
0x150: {  	v20 =	vld [tilespmem:s28+$0x109B0]  }
0x151: {  	v19 =	vld [tilespmem:s28+$0x109C0]  }
0x152: {  	v18 =	vld [tilespmem:s28+$0x109D0]  }
0x153: {  	v17 =	vld [tilespmem:s28+$0x109E0]  }
0x154: {  	v9 =	vld [tilespmem:s28+$0x109F0]  }
0x155: {  	v8 =	vld [tilespmem:s28+$0x10D80]  }
0x156: {  	v7 =	vld [tilespmem:s28+$0x10D90]  }
0x157: {  	v6 =	vld [tilespmem:s28+$0x10DA0]  }
0x158: {  	v0 =	vld [tilespmem:s28+$0x10DB0]  }
0x159: {  	v43 =	vld [tilespmem:s28+$0x10DC0]  }
0x15a: {  	v44 =	vld [tilespmem:s28+$0x10DD0]  }
0x15b: {  	v2 =	vld [tilespmem:s28+$0x8190]  }
0x15c: {  	v45 =	vld [tilespmem:s28+$0x81A0]  }
0x15d: {  	v46 =	vld [tilespmem:s28+$0x81B0]  }
0x15e: {  	v47 =	vld [tilespmem:s28+$0x81C0]  }
0x15f: {  	v48 =	vld [tilespmem:s28+$0x81D0]  }
0x160: {  	v49 =	vld [tilespmem:s28+$0x81E0]  }
0x161: {  	v50 =	vld [tilespmem:s28+$0x81F0]  }
0x162: {  	v51 =	vld [tilespmem:s28+$0x8580]  }
0x163: {  	v52 =	vld [tilespmem:s28+$0x8590]  }
0x164: {  	v53 =	vld [tilespmem:s28+$0x85A0]  }
0x165: {  	v54 =	vld [tilespmem:s28+$0x85B0]  }
0x166: {  	v55 =	vld [tilespmem:s28+$0x85C0]  }
0x167: {  	v56 =	vld [tilespmem:s28+$0x85D0]  }
0x168: {  	v57 =	vld [tilespmem:s28+$0x85E0]  }
0x169: {  	v58 =	vld [tilespmem:s28+$0x85F0]  }
0x16a: {  	v59 =	vld [tilespmem:s28+$0x8980]  }
0x16b: {  	v60 =	vld [tilespmem:s28+$0x8990]  }
0x16c: {  	v61 =	vld [tilespmem:s28+$0x89A0]  }
0x16d: {  	v62 =	vld [tilespmem:s28+$0x89B0]  }
0x16e: {  	v42 =	vld [tilespmem:s28+$0x89E0]  }
0x16f: {  	v41 =	vld [tilespmem:s28+$0x89F0]  }
0x170: {  	v40 =	vld [tilespmem:s28+$0x8D80]  }
0x171: {  	v16 =	vld [tilespmem:s28+$0x8D90]  }
0x172: {  	v15 =	vld [tilespmem:s28+$0x8DA0]  }
0x173: {  	v14 =	vld [tilespmem:s28+$0x8DB0]  }
0x174: {  	v13 =	vld [tilespmem:s28+$0x8DC0]  }
0x175: {  	v12 =	vld [tilespmem:s28+$0x8DD0]  }
0x176: {  	v11 =	vld [tilespmem:s28+$0x8DE0]  }
0x177: {  	v1 =	vld [tilespmem:s28+$0x190]  }
0x178: {  	v3 =	vld [tilespmem:s28+$0x1A0]  }
0x179: {  	v63 =	vld [tilespmem:s28+$0x180]  }
0x17a: {  	v4 =	vld [tilespmem:s28+$0x1B0]  }
0x17b: {  	[tilespmem:$0x1FFA0] =	vst v0;
	v0 =	vld [tilespmem:s28+$0x8180]  }
0x17c: {  	v5 =	vld [tilespmem:s28+$0x1C0]  }
0x17d: {  	v10 =	vld [tilespmem:s28+$0x8DF0];
	v1 =	vadd.f32 v2, v1;
	v3 =	vadd.f32 v45, v3  }
0x17e: {  	v2 =	vld [tilespmem:s28+$0x1E0]  }
0x17f: {  	v1 =	vadd.f32 v37, v1;
	v37 =	vld [tilespmem:s28+$0x580];
	v45 =	vadd.f32 v38, v3  }
0x180: {  	v4 =	vadd.f32 v46, v4;
	v0 =	vadd.f32 v0, v63;
	v63 =	vld [tilespmem:s28+$0x1D0]  }
0x181: {  	v46 =	vadd.f32 v47, v5;
	[tilespmem:s28+$0x1A0] =	vst v45;
	v45 =	vld [tilespmem:s28+$0x5B0]  }
0x182: {  	v47 =	vadd.f32 v39, v4;
	v0 =	vadd.f32 v35, v0;
	v35 =	vld [tilespmem:s28+$0x1F0]  }
0x183: {  	[tilespmem:$0x1FFB0] =	vst v43;
	v5 =	vld [tilespmem:s28+$0x590]  }
0x184: {  	v39 =	vadd.f32 v36, v46;
	[tilespmem:s28+$0x1B0] =	vst v47;
	v47 =	vld [tilespmem:s28+$0x5C0];
	v2 =	vadd.f32 v49, v2  }
0x185: {  	[tilespmem:$0x1FFC0] =	vst v44;
	v49 =	vadd.f32 v51, v37;
	v4 =	vadd.f32 v48, v63;
	v63 =	vld [tilespmem:s28+$0x5A0]  }
0x186: {  	[tilespmem:s28+$0x190] =	vst v1;
	v37 =	vld [tilespmem:s28+$0x990];
	v3 =	vadd.f32 v54, v45;
	v48 =	vadd.f32 v33, v2  }
0x187: {  	[tilespmem:s28+$0x1C0] =	vst v39;
	v45 =	vld [tilespmem:s28+$0x9A0];
	v46 =	vadd.f32 v34, v4;
	v4 =	vadd.f32 v50, v35  }
0x188: {  	[tilespmem:s28+$0x180] =	vst v0;
	v38 =	vadd.f32 v28, v3;
	v50 =	vld [tilespmem:s28+$0x5D0]  }
0x189: {  	[tilespmem:s28+$0x1E0] =	vst v48;
	v51 =	vadd.f32 v32, v4;
	v4 =	vadd.f32 v52, v5;
	v5 =	vld [tilespmem:s28+$0x5E0]  }
0x18a: {  	v36 =	vadd.f32 v55, v47;
	[tilespmem:s28+$0x5B0] =	vst v38;
	v53 =	vadd.f32 v53, v63;
	v63 =	vld [tilespmem:s28+$0x5F0]  }
0x18b: {  	[tilespmem:s28+$0x1D0] =	vst v46;
	v52 =	vadd.f32 v31, v49;
	v32 =	vadd.f32 v30, v4;
	v4 =	vld [tilespmem:s28+$0x980]  }
0x18c: {  	v44 =	vld [tilespmem:s28+$0x89C0];
	v46 =	vadd.f32 v27, v36;
	v55 =	vadd.f32 v61, v45;
	[tilespmem:s28+$0x1F0] =	vst v51  }
0x18d: {  	v43 =	vld [tilespmem:s28+$0x89D0];
	[tilespmem:s28+$0x580] =	vst v52;
	v35 =	vadd.f32 v29, v53;
	v39 =	vadd.f32 v56, v50  }
0x18e: {  	[tilespmem:s28+$0x5C0] =	vst v46;
	v53 =	vadd.f32 v60, v37;
	v47 =	vadd.f32 v57, v5;
	v5 =	vld [tilespmem:s28+$0x9B0]  }
0x18f: {  	[tilespmem:s28+$0x590] =	vst v32;
	v48 =	vadd.f32 v26, v39;
	v26 =	vld [tilespmem:s28+$0x9C0];
	v49 =	vadd.f32 v58, v63  }
0x190: {  	[tilespmem:s28+$0x5A0] =	vst v35;
	v56 =	vadd.f32 v22, v53;
	v51 =	vadd.f32 v59, v4;
	v4 =	vld [tilespmem:s28+$0x9D0]  }
0x191: {  	v58 =	vadd.f32 v21, v55;
	[tilespmem:s28+$0x5D0] =	vst v48;
	v52 =	vadd.f32 v24, v49;
	v24 =	vld [tilespmem:s28+$0x9E0]  }
0x192: {  	v50 =	vadd.f32 v25, v47;
	[tilespmem:s28+$0x990] =	vst v56;
	v54 =	vadd.f32 v23, v51;
	v23 =	vld [tilespmem:s28+$0x9F0]  }
0x193: {  	p0 =	sne.s32 s29, $0x7E00;
	[tilespmem:s28+$0x9A0] =	vst v58;
	v57 =	vadd.f32 v62, v5;
	v5 =	vld [tilespmem:s28+$0xD80]  }
.Ltmp0:
0x194: {  	v21 =	vld [tilespmem:s28+$0xD90];
	[tilespmem:s28+$0x5E0] =	vst v50;
	v59 =	vadd.f32 v44, v26;
	(pc) =	sbr.rel @p0 .LBB2_2-.Ltmp0, $4  }
0x195: {  	[tilespmem:s28+$0x5F0] =	vst v52;
	v60 =	vadd.f32 v20, v57;
	v61 =	vadd.f32 v43, v4;
	v20 =	vld [tilespmem:s28+$0xDA0]  }
0x196: {  	[tilespmem:s28+$0x980] =	vst v54;
	v62 =	vadd.f32 v19, v59;
	v19 =	vld [tilespmem:s28+$0xDB0];
	v63 =	vadd.f32 v42, v24  }
0x197: {  	[tilespmem:s28+$0x9B0] =	vst v60;
	v22 =	vadd.f32 v18, v61;
	v23 =	vadd.f32 v41, v23;
	v18 =	vld [tilespmem:s28+$0xDC0]  }
0x198: {  	s29 =	sadd.s32 $0x200, s29;
	[tilespmem:s28+$0x9C0] =	vst v62;
	v25 =	vadd.f32 v17, v63;
	v24 =	vadd.f32 v40, v5;
	v17 =	vld [tilespmem:s28+$0xDD0]  }
0x199: {  	v1 =	vld [tilespmem:s28+$0xDE0]  }
0x19a: {  	v4 =	vld [tilespmem:s28+$0xDF0]  }
0x19b: {  	v57 =	vld [tilespmem:$0x1FFA0]  }
0x19c: {  	[tilespmem:s28+$0x9D0] =	vst v22;
	v0 =	vadd.f32 v9, v23;
	v2 =	vadd.f32 v16, v21;
	v59 =	vld [tilespmem:$0x1FFB0]  }
0x19d: {  	v60 =	vld [tilespmem:$0x1FFC0];
	[tilespmem:s28+$0x9E0] =	vst v25;
	v3 =	vadd.f32 v8, v24;
	v53 =	vadd.f32 v15, v20  }
0x19e: {  	v5 =	vld [tilespmem:s28+$0x10DE0];
	[tilespmem:s28+$0x9F0] =	vst v0;
	v2 =	vadd.f32 v7, v2;
	v54 =	vadd.f32 v14, v19  }
0x19f: {  	v56 =	vld [tilespmem:s28+$0x10DF0];
	[tilespmem:s28+$0xD80] =	vst v3;
	v0 =	vadd.f32 v6, v53;
	v55 =	vadd.f32 v13, v18  }
0x1a0: {  	[tilespmem:s28+$0xD90] =	vst v2;
	v58 =	vadd.f32 v12, v17;
	v2 =	vadd.f32 v57, v54  }
0x1a1: {  	[tilespmem:s28+$0xDA0] =	vst v0;
	v0 =	vadd.f32 v59, v55;
	v1 =	vadd.f32 v11, v1  }
0x1a2: {  	v61 =	vadd.f32 v10, v4;
	[tilespmem:s28+$0xDB0] =	vst v2;
	v2 =	vadd.f32 v60, v58  }
0x1a3: {  	[tilespmem:s28+$0xDC0] =	vst v0;
	v62 =	vadd.f32 v5, v1  }
0x1a4: {  	s26 =	sadd.s32 $0x1, s26;
	v63 =	vadd.f32 v56, v61;
	[tilespmem:s28+$0xDD0] =	vst v2  }
0x1a5: {  	p0 =	sne.s32 s26, s11;
	[tilespmem:s28+$0xDE0] =	vst v62  }
.Ltmp1:
0x1a6: {  	[tilespmem:s28+$0xDF0] =	vst v63;
	(pc) =	sbr.rel @p0 .LBB2_1-.Ltmp1, $4  }
0x1a7: {  	[hbm4b:s10+s3] =	stream.linear.scatter [tilespmem:s15], [sflag:$0x2], $0x8000, $0x38;
	[tilespmem:$0x18180] =	vst v63  }
0x1a8: {  	_ =	swait.ge [sflag:s12], $0x8000  }
0x1a9: {  	[sflag:s12] =	ssyncset.done $0x0  }
0x1aa: {  	[sflag:s12] =	ssyncadd.s32 $0xFFFF8000  }
0x1ab: {  	_ =	sfence.sel $0x180000  }
0x1ac: {  	[bflag:$0x0] =	sbarrier.arrive $0xFFFF  }
0x1ad: {  	_ =	strace $0x90000047  }
0x1ae: {  	s0 =	stileid.u32;
	[bflag:$0x2] =	sbarrier.arrive $0xFFFF  }
0x1af: {  	p0 =	sne.s32 s0, $0x0;
	s0 =	rddreg [dreg:$0x3]  }
0x1b0: {  	s0 =	sadd.s32 @!p0 $0x100000, s0  }
0x1b1: {  	[sflag:s0] =	ssyncadd.tile.s32 @!p0 $0x1;
	_ =	shalt  }
.Lfunc_end2:
_tile_overlayer_lowered:
.L_overlay_start_2:
0x1b2: {  	(tag) =	ssettag $0x2  }
0x1b3: {  	s0 =	rddreg [dreg:$0x0];
	s2 =	stileid.u32  }
0x1b4: {  	s1 =	rddreg [dreg:$0x1];
	p0 =	sne.s32 s2, $0x0  }
0x1b5: {  	s3 =	rddreg [dreg:$0x2];
	[bflag:$0x3] =	sbarrier.arrive $0xFFFF;
	s2 =	simm.s32 @!p0 $0x1C02  }
0x1b6: {  	[timem:s3], [sflag:s2] =	dma.local @!p0 [hbm:s0], s1  }
0x1b7: {  	s0 =	simm.s32 @!p0 $0x2  }
0x1b8: {  	_ =	swait.ge @!p0 [sflag:s0], s1  }
0x1b9: {  	s1 =	ssub.s32 @!p0 $0x0, s1;
	[sflag:s0] =	ssyncset.done @!p0 $0x0  }
0x1ba: {  	[sflag:s0] =	ssyncadd.s32 @!p0 s1  }
0x1bb: {  	[bflag:$0x3] =	sbarrier.arrive $0xFFFF  }
0x1bc: {  	_ =	shalt  }

</sc_bundles>
